<compile_context>
chip_gen: v7x
topology: tpu7x:2x2x1
jax: 0.10.2.dev20260603
libtpu: 0.0.44.dev20260713+nightly
codegen_flags: <defaults>
</compile_context>

<pallas_src>
import functools

import jax
import jax.numpy as jnp
from jax import lax
from jax.experimental import pallas as pl
from jax.experimental.pallas import tpu as pltpu
from jax.experimental.pallas import tpu_sc as plsc

MAX_BATCH = 16
MAX_SEQ = 2048
N_HEADS = 16
HEAD_DIM = 64
BATCH_SIZE = 8

HD = N_HEADS * HEAD_DIM

NUM_CORES = 2
NUM_SUBCORES = 16
NUM_WORKERS = NUM_CORES * NUM_SUBCORES
SEQ_PER_W = BATCH_SIZE * MAX_SEQ // NUM_WORKERS
CHS = 16
NB = 4
NCH = SEQ_PER_W // CHS
NGRP = NCH // NB


@functools.partial(
    pl.kernel,
    out_type=jax.ShapeDtypeStruct((BATCH_SIZE, MAX_SEQ, HD), jnp.float32),
    mesh=plsc.VectorSubcoreMesh(core_axis_name="c", subcore_axis_name="s"),
    scratch_types=(
        [pltpu.VMEM((CHS, HD), jnp.float32) for _ in range(NB)]
        + [pltpu.SemaphoreType.DMA] * (2 * NB)
    ),
)
def _sc_copy(hin, hout, *scratch):
    bufs = scratch[:NB]
    sin = scratch[NB:2 * NB]
    sout = scratch[2 * NB:]

    wid = lax.axis_index("s") * NUM_CORES + lax.axis_index("c")
    row = wid // (MAX_SEQ // SEQ_PER_W)
    seq0 = (wid % (MAX_SEQ // SEQ_PER_W)) * SEQ_PER_W

    def hslice(ref, g, b):
        return ref.at[row, pl.ds(seq0 + (g * NB + b) * CHS, CHS), :]

    def group(g, carry):
        for b in range(NB):
            @pl.when(g > 0)
            def _wait_prev_out():
                pltpu.make_async_copy(
                    bufs[b], hslice(hout, g - 1, b), sout[b]).wait()
            pltpu.async_copy(hslice(hin, g, b), bufs[b], sin[b])
        for b in range(NB):
            pltpu.make_async_copy(hslice(hin, g, b), bufs[b], sin[b]).wait()
            pltpu.async_copy(bufs[b], hslice(hout, g, b), sout[b])
        return carry

    lax.fori_loop(0, NGRP, group, 0)
    for b in range(NB):
        pltpu.make_async_copy(bufs[b], hslice(hout, NGRP - 1, b), sout[b]).wait()


BLK_SEQ = 1024
NJ = MAX_SEQ // BLK_SEQ
NC = BATCH_SIZE * NJ
NBUF = 6
LAG = 3


def _tc_body(hin, hout, buf, si, so):
    def src(ref, c):
        i, j = divmod(c, NJ)
        return ref.at[i, pl.ds(j * BLK_SEQ, BLK_SEQ), :]

    def incp(c):
        return pltpu.make_async_copy(src(hin, c), buf.at[c % NBUF],
                                     si.at[c % NBUF])

    def outcp(c):
        return pltpu.make_async_copy(buf.at[c % NBUF], src(hout, c),
                                     so.at[c % NBUF])

    for c in range(NC):
        if c >= NBUF:
            outcp(c - NBUF).wait()
        incp(c).start()
        if c >= LAG:
            incp(c - LAG).wait()
            outcp(c - LAG).start()
    for c in range(NC - LAG, NC):
        incp(c).wait()
        outcp(c).start()
    for c in range(NC - NBUF, NC):
        outcp(c).wait()


def _tc_copy(vf):
    out_shape = jax.ShapeDtypeStruct((BATCH_SIZE, MAX_SEQ, HD), jnp.float32)
    hbm = pl.BlockSpec(memory_space=pltpu.HBM)
    return pl.pallas_call(
        _tc_body,
        in_specs=[hbm],
        out_specs=hbm,
        out_shape=out_shape,
        scratch_shapes=[
            pltpu.VMEM((NBUF, BLK_SEQ, HD), jnp.float32),
            pltpu.SemaphoreType.DMA((NBUF,)),
            pltpu.SemaphoreType.DMA((NBUF,)),
        ],
    )(vf)


def kernel(k_cache, v_cache, batch_size):
    del batch_size
    kf = k_cache.reshape(MAX_BATCH, MAX_SEQ, HD)
    vf = v_cache.reshape(MAX_BATCH, MAX_SEQ, HD)
    ko = _sc_copy(kf)
    vo = _sc_copy(vf)
    shape = (BATCH_SIZE, MAX_SEQ, N_HEADS, HEAD_DIM)
    return (ko.reshape(shape), vo.reshape(shape))

# --- scband reference (transcript-rebuilt; emitter-appended) ---
"""Pipeline reference for scband-kvcache-4088808865948 (READ-ONLY COPY).

The authoritative reference and input builder live on the scoring server;
editing this copy changes nothing except your own understanding.
"""

import jax, jax.numpy as jnp
import numpy as np

MAX_BATCH = 16
MAX_SEQ = 2048
N_HEADS = 16
HEAD_DIM = 64
BATCH_SIZE = 8

def setup_inputs(seed: int = 0) -> dict:
    key = jax.random.key(seed)
    k1, k2 = jax.random.split(key)
    # Buffers registered in __init__ (initialized to zeros in torch; we fill with
    # randn so the memory traffic is realistic and values are nontrivial).
    k_cache = jax.random.normal(k1, (MAX_BATCH, MAX_SEQ, N_HEADS, HEAD_DIM), dtype=jnp.float32)
    v_cache = jax.random.normal(k2, (MAX_BATCH, MAX_SEQ, N_HEADS, HEAD_DIM), dtype=jnp.float32)
    batch_size = 8
    return {"k_cache": k_cache, "v_cache": v_cache, "batch_size": batch_size}

def reference(k_cache, v_cache, batch_size):
    # Faithful translation of KVCache.get(batch_size):
    #   return (self.k_cache[:batch_size], self.v_cache[:batch_size])
    start = batch_size - BATCH_SIZE
    k = jax.lax.dynamic_slice_in_dim(k_cache, start, BATCH_SIZE, axis=0)
    v = jax.lax.dynamic_slice_in_dim(v_cache, start, BATCH_SIZE, axis=0)
    return (k, v)

if __name__ == "__main__":
    import jax
    _d = setup_inputs()
    print(jax.jit(kernel)(*tuple(_d.values())))

</pallas_src>

<mosaic_0001>
#map = affine_map<(d0, d1) -> (0, 0, 0)>
module attributes {stable_mosaic.version = 14 : i64} {
  func.func @_sc_copy(%arg0: i32, %arg1: i32, %arg2: memref<16x2048x1024xf32, #tpu.memory_space<hbm>>, %arg3: memref<8x2048x1024xf32, #tpu.memory_space<hbm>>, %arg4: memref<16x1024xf32, #tpu.memory_space<vmem>>, %arg5: memref<16x1024xf32, #tpu.memory_space<vmem>>, %arg6: memref<16x1024xf32, #tpu.memory_space<vmem>>, %arg7: memref<16x1024xf32, #tpu.memory_space<vmem>>, %arg8: memref<!tpu.dma_semaphore, #tpu.memory_space<semaphore_mem>>, %arg9: memref<!tpu.dma_semaphore, #tpu.memory_space<semaphore_mem>>, %arg10: memref<!tpu.dma_semaphore, #tpu.memory_space<semaphore_mem>>, %arg11: memref<!tpu.dma_semaphore, #tpu.memory_space<semaphore_mem>>, %arg12: memref<!tpu.dma_semaphore, #tpu.memory_space<semaphore_mem>>, %arg13: memref<!tpu.dma_semaphore, #tpu.memory_space<semaphore_mem>>, %arg14: memref<!tpu.dma_semaphore, #tpu.memory_space<semaphore_mem>>, %arg15: memref<!tpu.dma_semaphore, #tpu.memory_space<semaphore_mem>>) attributes {dimension_semantics = [#tpu.dimension_semantics<core_parallel>, #tpu.dimension_semantics<subcore_parallel>], iteration_bounds = array<i64: 2, 16>, scalar_prefetch = 0 : i64, scratch_operands = 12 : i64, tpu.core_type = #tpu.core_type<sc_vector_subcore>, window_params = [{transform_indices = #map}, {transform_indices = #map}]} {
    %mul3A = arith.constant 2 : i32
    %mul3A_0 = arith.muli %arg1, %mul3A : i32
    %add3A = arith.addi %mul3A_0, %arg0 : i32
    %jit3A = arith.constant 4 : i32
    %div3A = arith.divsi %add3A, %jit3A : i32
    %sign3A = arith.constant 0 : i32
    %sign3A_1 = arith.cmpi sgt, %add3A, %sign3A : i32
    %sign3A_2 = arith.extui %sign3A_1 : i1 to i32
    %sign3A_3 = arith.constant 0 : i32
    %sign3A_4 = arith.cmpi slt, %add3A, %sign3A_3 : i32
    %sign3A_5 = arith.extui %sign3A_4 : i1 to i32
    %sign3A_6 = arith.subi %sign3A_2, %sign3A_5 : i32
    %sign3A_7 = arith.constant 0 : i32
    %sign3A_8 = arith.cmpi sgt, %jit3A, %sign3A_7 : i32
    %sign3A_9 = arith.extui %sign3A_8 : i1 to i32
    %sign3A_10 = arith.constant 0 : i32
    %sign3A_11 = arith.cmpi slt, %jit3A, %sign3A_10 : i32
    %sign3A_12 = arith.extui %sign3A_11 : i1 to i32
    %sign3A_13 = arith.subi %sign3A_9, %sign3A_12 : i32
    %ne3A = arith.cmpi ne, %sign3A_6, %sign3A_13 : i32
    %rem3A = arith.remsi %add3A, %jit3A : i32
    %ne3A_14 = arith.constant 0 : i32
    %ne3A_15 = arith.cmpi ne, %rem3A, %ne3A_14 : i32
    %and3A = arith.andi %ne3A, %ne3A_15 : i1
    %sub3A = arith.constant 1 : i32
    %sub3A_16 = arith.subi %div3A, %sub3A : i32
    %select_n3A = arith.select %and3A, %sub3A_16, %div3A : i32
    %jit3A_17 = arith.constant 4 : i32
    %eq3A = arith.constant 0 : i32
    %eq3A_18 = arith.cmpi eq, %jit3A_17, %eq3A : i32
    %jit3A_19 = arith.constant 1 : i32
    %select_n3A_20 = arith.select %eq3A_18, %jit3A_19, %jit3A_17 : i32
    %rem3A_21 = arith.remsi %add3A, %select_n3A_20 : i32
    %ne3A_22 = arith.constant 0 : i32
    %ne3A_23 = arith.cmpi ne, %rem3A_21, %ne3A_22 : i32
    %lt3A = arith.constant 0 : i32
    %lt3A_24 = arith.cmpi slt, %rem3A_21, %lt3A : i32
    %lt3A_25 = arith.constant 0 : i32
    %lt3A_26 = arith.cmpi slt, %select_n3A_20, %lt3A_25 : i32
    %ne3A_27 = arith.xori %lt3A_24, %lt3A_26 : i1
    %and3A_28 = arith.andi %ne3A_27, %ne3A_23 : i1
    %add3A_29 = arith.addi %rem3A_21, %select_n3A_20 : i32
    %select_n3A_30 = arith.select %and3A_28, %add3A_29, %rem3A_21 : i32
    %mul3A_31 = arith.constant 512 : i32
    %mul3A_32 = arith.muli %select_n3A_30, %mul3A_31 : i32
    %scan3A = arith.constant 0 : i32
    %scan3A_33 = arith.constant 0 : i32
    %scan3A_34 = arith.constant 8 : i32
    %scan3A_35 = arith.addi %scan3A_33, %scan3A_34 : i32
    %scan3A_36 = arith.constant 1 : i32
    scf.for %scan3A_69 = %scan3A_33 to %scan3A_35 step %scan3A_36  : i32 {
      %gt3A = arith.constant 0 : i32
      %gt3A_70 = arith.cmpi sgt, %scan3A_69, %gt3A : i32
      %convert_element_type3A = arith.extui %gt3A_70 : i1 to i32
      %cond3A = arith.constant 0 : i32
      %cond3A_71 = arith.cmpi ne, %convert_element_type3A, %cond3A : i32
      scf.if %cond3A_71 {
        %sub3A_242 = arith.constant 1 : i32
        %sub3A_243 = arith.subi %scan3A_69, %sub3A_242 : i32
        %mul3A_244 = arith.constant 4 : i32
        %mul3A_245 = arith.muli %sub3A_243, %mul3A_244 : i32
        %add3A_246 = arith.constant 0 : i32
        %add3A_247 = arith.addi %mul3A_245, %add3A_246 : i32
        %mul3A_248 = arith.constant 16 : i32
        %mul3A_249 = arith.muli %add3A_247, %mul3A_248 : i32
        %add3A_250 = arith.addi %mul3A_32, %mul3A_249 : i32
        %dma_wait3A_251 = arith.constant 0 : i32
        %dma_wait3A_252 = tpu.memref_slice %arg3[%select_n3A, %add3A_250, %dma_wait3A_251] : memref<8x2048x1024xf32, #tpu.memory_space<hbm>> -> memref<1x16x1024xf32, #tpu.memory_space<hbm>>
        %dma_wait3A_253 = tpu.memref_squeeze %dma_wait3A_252 : memref<1x16x1024xf32, #tpu.memory_space<hbm>> -> memref<16x1024xf32, #tpu.memory_space<hbm>>
        %dma_wait3A_254 = arith.constant 0 : i32
        %dma_wait3A_255 = tpu.memref_slice %arg3[%select_n3A, %add3A_250, %dma_wait3A_254] : memref<8x2048x1024xf32, #tpu.memory_space<hbm>> -> memref<1x16x1024xf32, #tpu.memory_space<hbm>>
        %dma_wait3A_256 = tpu.memref_squeeze %dma_wait3A_255 : memref<1x16x1024xf32, #tpu.memory_space<hbm>> -> memref<16x1024xf32, #tpu.memory_space<hbm>>
        tpu.wait_dma2 semaphore(%arg12 : memref<!tpu.dma_semaphore, #tpu.memory_space<semaphore_mem>>) src(%arg4 : memref<16x1024xf32, #tpu.memory_space<vmem>>) dst(%dma_wait3A_256 : memref<16x1024xf32, #tpu.memory_space<hbm>>)
      } else {
      }
      %mul3A_72 = arith.constant 4 : i32
      %mul3A_73 = arith.muli %scan3A_69, %mul3A_72 : i32
      %add3A_74 = arith.constant 0 : i32
      %add3A_75 = arith.addi %mul3A_73, %add3A_74 : i32
      %mul3A_76 = arith.constant 16 : i32
      %mul3A_77 = arith.muli %add3A_75, %mul3A_76 : i32
      %add3A_78 = arith.addi %mul3A_32, %mul3A_77 : i32
      %dma_start3A = arith.constant 0 : i32
      %dma_start3A_79 = tpu.memref_slice %arg2[%select_n3A, %add3A_78, %dma_start3A] : memref<16x2048x1024xf32, #tpu.memory_space<hbm>> -> memref<1x16x1024xf32, #tpu.memory_space<hbm>>
      %dma_start3A_80 = tpu.memref_squeeze %dma_start3A_79 : memref<1x16x1024xf32, #tpu.memory_space<hbm>> -> memref<16x1024xf32, #tpu.memory_space<hbm>>
      %dma_start3A_81 = arith.constant 0 : i32
      %dma_start3A_82 = tpu.memref_slice %arg2[%select_n3A, %add3A_78, %dma_start3A_81] : memref<16x2048x1024xf32, #tpu.memory_space<hbm>> -> memref<1x16x1024xf32, #tpu.memory_space<hbm>>
      %dma_start3A_83 = tpu.memref_squeeze %dma_start3A_82 : memref<1x16x1024xf32, #tpu.memory_space<hbm>> -> memref<16x1024xf32, #tpu.memory_space<hbm>>
      tpu.enqueue_dma source(%dma_start3A_83 : memref<16x1024xf32, #tpu.memory_space<hbm>>) target(%arg4 : memref<16x1024xf32, #tpu.memory_space<vmem>>) target_semaphore(%arg8 : memref<!tpu.dma_semaphore, #tpu.memory_space<semaphore_mem>>)
      %gt3A_84 = arith.constant 0 : i32
      %gt3A_85 = arith.cmpi sgt, %scan3A_69, %gt3A_84 : i32
      %convert_element_type3A_86 = arith.extui %gt3A_85 : i1 to i32
      %cond3A_87 = arith.constant 0 : i32
      %cond3A_88 = arith.cmpi ne, %convert_element_type3A_86, %cond3A_87 : i32
      scf.if %cond3A_88 {
        %sub3A_242 = arith.constant 1 : i32
        %sub3A_243 = arith.subi %scan3A_69, %sub3A_242 : i32
        %mul3A_244 = arith.constant 4 : i32
        %mul3A_245 = arith.muli %sub3A_243, %mul3A_244 : i32
        %add3A_246 = arith.constant 1 : i32
        %add3A_247 = arith.addi %mul3A_245, %add3A_246 : i32
        %mul3A_248 = arith.constant 16 : i32
        %mul3A_249 = arith.muli %add3A_247, %mul3A_248 : i32
        %add3A_250 = arith.addi %mul3A_32, %mul3A_249 : i32
        %dma_wait3A_251 = arith.constant 0 : i32
        %dma_wait3A_252 = tpu.memref_slice %arg3[%select_n3A, %add3A_250, %dma_wait3A_251] : memref<8x2048x1024xf32, #tpu.memory_space<hbm>> -> memref<1x16x1024xf32, #tpu.memory_space<hbm>>
        %dma_wait3A_253 = tpu.memref_squeeze %dma_wait3A_252 : memref<1x16x1024xf32, #tpu.memory_space<hbm>> -> memref<16x1024xf32, #tpu.memory_space<hbm>>
        %dma_wait3A_254 = arith.constant 0 : i32
        %dma_wait3A_255 = tpu.memref_slice %arg3[%select_n3A, %add3A_250, %dma_wait3A_254] : memref<8x2048x1024xf32, #tpu.memory_space<hbm>> -> memref<1x16x1024xf32, #tpu.memory_space<hbm>>
        %dma_wait3A_256 = tpu.memref_squeeze %dma_wait3A_255 : memref<1x16x1024xf32, #tpu.memory_space<hbm>> -> memref<16x1024xf32, #tpu.memory_space<hbm>>
        tpu.wait_dma2 semaphore(%arg13 : memref<!tpu.dma_semaphore, #tpu.memory_space<semaphore_mem>>) src(%arg5 : memref<16x1024xf32, #tpu.memory_space<vmem>>) dst(%dma_wait3A_256 : memref<16x1024xf32, #tpu.memory_space<hbm>>)
      } else {
      }
      %mul3A_89 = arith.constant 4 : i32
      %mul3A_90 = arith.muli %scan3A_69, %mul3A_89 : i32
      %add3A_91 = arith.constant 1 : i32
      %add3A_92 = arith.addi %mul3A_90, %add3A_91 : i32
      %mul3A_93 = arith.constant 16 : i32
      %mul3A_94 = arith.muli %add3A_92, %mul3A_93 : i32
      %add3A_95 = arith.addi %mul3A_32, %mul3A_94 : i32
      %dma_start3A_96 = arith.constant 0 : i32
      %dma_start3A_97 = tpu.memref_slice %arg2[%select_n3A, %add3A_95, %dma_start3A_96] : memref<16x2048x1024xf32, #tpu.memory_space<hbm>> -> memref<1x16x1024xf32, #tpu.memory_space<hbm>>
      %dma_start3A_98 = tpu.memref_squeeze %dma_start3A_97 : memref<1x16x1024xf32, #tpu.memory_space<hbm>> -> memref<16x1024xf32, #tpu.memory_space<hbm>>
      %dma_start3A_99 = arith.constant 0 : i32
      %dma_start3A_100 = tpu.memref_slice %arg2[%select_n3A, %add3A_95, %dma_start3A_99] : memref<16x2048x1024xf32, #tpu.memory_space<hbm>> -> memref<1x16x1024xf32, #tpu.memory_space<hbm>>
      %dma_start3A_101 = tpu.memref_squeeze %dma_start3A_100 : memref<1x16x1024xf32, #tpu.memory_space<hbm>> -> memref<16x1024xf32, #tpu.memory_space<hbm>>
      tpu.enqueue_dma source(%dma_start3A_101 : memref<16x1024xf32, #tpu.memory_space<hbm>>) target(%arg5 : memref<16x1024xf32, #tpu.memory_space<vmem>>) target_semaphore(%arg9 : memref<!tpu.dma_semaphore, #tpu.memory_space<semaphore_mem>>)
      %gt3A_102 = arith.constant 0 : i32
      %gt3A_103 = arith.cmpi sgt, %scan3A_69, %gt3A_102 : i32
      %convert_element_type3A_104 = arith.extui %gt3A_103 : i1 to i32
      %cond3A_105 = arith.constant 0 : i32
      %cond3A_106 = arith.cmpi ne, %convert_element_type3A_104, %cond3A_105 : i32
      scf.if %cond3A_106 {
        %sub3A_242 = arith.constant 1 : i32
        %sub3A_243 = arith.subi %scan3A_69, %sub3A_242 : i32
        %mul3A_244 = arith.constant 4 : i32
        %mul3A_245 = arith.muli %sub3A_243, %mul3A_244 : i32
        %add3A_246 = arith.constant 2 : i32
        %add3A_247 = arith.addi %mul3A_245, %add3A_246 : i32
        %mul3A_248 = arith.constant 16 : i32
        %mul3A_249 = arith.muli %add3A_247, %mul3A_248 : i32
        %add3A_250 = arith.addi %mul3A_32, %mul3A_249 : i32
        %dma_wait3A_251 = arith.constant 0 : i32
        %dma_wait3A_252 = tpu.memref_slice %arg3[%select_n3A, %add3A_250, %dma_wait3A_251] : memref<8x2048x1024xf32, #tpu.memory_space<hbm>> -> memref<1x16x1024xf32, #tpu.memory_space<hbm>>
        %dma_wait3A_253 = tpu.memref_squeeze %dma_wait3A_252 : memref<1x16x1024xf32, #tpu.memory_space<hbm>> -> memref<16x1024xf32, #tpu.memory_space<hbm>>
        %dma_wait3A_254 = arith.constant 0 : i32
        %dma_wait3A_255 = tpu.memref_slice %arg3[%select_n3A, %add3A_250, %dma_wait3A_254] : memref<8x2048x1024xf32, #tpu.memory_space<hbm>> -> memref<1x16x1024xf32, #tpu.memory_space<hbm>>
        %dma_wait3A_256 = tpu.memref_squeeze %dma_wait3A_255 : memref<1x16x1024xf32, #tpu.memory_space<hbm>> -> memref<16x1024xf32, #tpu.memory_space<hbm>>
        tpu.wait_dma2 semaphore(%arg14 : memref<!tpu.dma_semaphore, #tpu.memory_space<semaphore_mem>>) src(%arg6 : memref<16x1024xf32, #tpu.memory_space<vmem>>) dst(%dma_wait3A_256 : memref<16x1024xf32, #tpu.memory_space<hbm>>)
      } else {
      }
      %mul3A_107 = arith.constant 4 : i32
      %mul3A_108 = arith.muli %scan3A_69, %mul3A_107 : i32
      %add3A_109 = arith.constant 2 : i32
      %add3A_110 = arith.addi %mul3A_108, %add3A_109 : i32
      %mul3A_111 = arith.constant 16 : i32
      %mul3A_112 = arith.muli %add3A_110, %mul3A_111 : i32
      %add3A_113 = arith.addi %mul3A_32, %mul3A_112 : i32
      %dma_start3A_114 = arith.constant 0 : i32
      %dma_start3A_115 = tpu.memref_slice %arg2[%select_n3A, %add3A_113, %dma_start3A_114] : memref<16x2048x1024xf32, #tpu.memory_space<hbm>> -> memref<1x16x1024xf32, #tpu.memory_space<hbm>>
      %dma_start3A_116 = tpu.memref_squeeze %dma_start3A_115 : memref<1x16x1024xf32, #tpu.memory_space<hbm>> -> memref<16x1024xf32, #tpu.memory_space<hbm>>
      %dma_start3A_117 = arith.constant 0 : i32
      %dma_start3A_118 = tpu.memref_slice %arg2[%select_n3A, %add3A_113, %dma_start3A_117] : memref<16x2048x1024xf32, #tpu.memory_space<hbm>> -> memref<1x16x1024xf32, #tpu.memory_space<hbm>>
      %dma_start3A_119 = tpu.memref_squeeze %dma_start3A_118 : memref<1x16x1024xf32, #tpu.memory_space<hbm>> -> memref<16x1024xf32, #tpu.memory_space<hbm>>
      tpu.enqueue_dma source(%dma_start3A_119 : memref<16x1024xf32, #tpu.memory_space<hbm>>) target(%arg6 : memref<16x1024xf32, #tpu.memory_space<vmem>>) target_semaphore(%arg10 : memref<!tpu.dma_semaphore, #tpu.memory_space<semaphore_mem>>)
      %gt3A_120 = arith.constant 0 : i32
      %gt3A_121 = arith.cmpi sgt, %scan3A_69, %gt3A_120 : i32
      %convert_element_type3A_122 = arith.extui %gt3A_121 : i1 to i32
      %cond3A_123 = arith.constant 0 : i32
      %cond3A_124 = arith.cmpi ne, %convert_element_type3A_122, %cond3A_123 : i32
      scf.if %cond3A_124 {
        %sub3A_242 = arith.constant 1 : i32
        %sub3A_243 = arith.subi %scan3A_69, %sub3A_242 : i32
        %mul3A_244 = arith.constant 4 : i32
        %mul3A_245 = arith.muli %sub3A_243, %mul3A_244 : i32
        %add3A_246 = arith.constant 3 : i32
        %add3A_247 = arith.addi %mul3A_245, %add3A_246 : i32
        %mul3A_248 = arith.constant 16 : i32
        %mul3A_249 = arith.muli %add3A_247, %mul3A_248 : i32
        %add3A_250 = arith.addi %mul3A_32, %mul3A_249 : i32
        %dma_wait3A_251 = arith.constant 0 : i32
        %dma_wait3A_252 = tpu.memref_slice %arg3[%select_n3A, %add3A_250, %dma_wait3A_251] : memref<8x2048x1024xf32, #tpu.memory_space<hbm>> -> memref<1x16x1024xf32, #tpu.memory_space<hbm>>
        %dma_wait3A_253 = tpu.memref_squeeze %dma_wait3A_252 : memref<1x16x1024xf32, #tpu.memory_space<hbm>> -> memref<16x1024xf32, #tpu.memory_space<hbm>>
        %dma_wait3A_254 = arith.constant 0 : i32
        %dma_wait3A_255 = tpu.memref_slice %arg3[%select_n3A, %add3A_250, %dma_wait3A_254] : memref<8x2048x1024xf32, #tpu.memory_space<hbm>> -> memref<1x16x1024xf32, #tpu.memory_space<hbm>>
        %dma_wait3A_256 = tpu.memref_squeeze %dma_wait3A_255 : memref<1x16x1024xf32, #tpu.memory_space<hbm>> -> memref<16x1024xf32, #tpu.memory_space<hbm>>
        tpu.wait_dma2 semaphore(%arg15 : memref<!tpu.dma_semaphore, #tpu.memory_space<semaphore_mem>>) src(%arg7 : memref<16x1024xf32, #tpu.memory_space<vmem>>) dst(%dma_wait3A_256 : memref<16x1024xf32, #tpu.memory_space<hbm>>)
      } else {
      }
      %mul3A_125 = arith.constant 4 : i32
      %mul3A_126 = arith.muli %scan3A_69, %mul3A_125 : i32
      %add3A_127 = arith.constant 3 : i32
      %add3A_128 = arith.addi %mul3A_126, %add3A_127 : i32
      %mul3A_129 = arith.constant 16 : i32
      %mul3A_130 = arith.muli %add3A_128, %mul3A_129 : i32
      %add3A_131 = arith.addi %mul3A_32, %mul3A_130 : i32
      %dma_start3A_132 = arith.constant 0 : i32
      %dma_start3A_133 = tpu.memref_slice %arg2[%select_n3A, %add3A_131, %dma_start3A_132] : memref<16x2048x1024xf32, #tpu.memory_space<hbm>> -> memref<1x16x1024xf32, #tpu.memory_space<hbm>>
      %dma_start3A_134 = tpu.memref_squeeze %dma_start3A_133 : memref<1x16x1024xf32, #tpu.memory_space<hbm>> -> memref<16x1024xf32, #tpu.memory_space<hbm>>
      %dma_start3A_135 = arith.constant 0 : i32
      %dma_start3A_136 = tpu.memref_slice %arg2[%select_n3A, %add3A_131, %dma_start3A_135] : memref<16x2048x1024xf32, #tpu.memory_space<hbm>> -> memref<1x16x1024xf32, #tpu.memory_space<hbm>>
      %dma_start3A_137 = tpu.memref_squeeze %dma_start3A_136 : memref<1x16x1024xf32, #tpu.memory_space<hbm>> -> memref<16x1024xf32, #tpu.memory_space<hbm>>
      tpu.enqueue_dma source(%dma_start3A_137 : memref<16x1024xf32, #tpu.memory_space<hbm>>) target(%arg7 : memref<16x1024xf32, #tpu.memory_space<vmem>>) target_semaphore(%arg11 : memref<!tpu.dma_semaphore, #tpu.memory_space<semaphore_mem>>)
      %mul3A_138 = arith.constant 4 : i32
      %mul3A_139 = arith.muli %scan3A_69, %mul3A_138 : i32
      %add3A_140 = arith.constant 0 : i32
      %add3A_141 = arith.addi %mul3A_139, %add3A_140 : i32
      %mul3A_142 = arith.constant 16 : i32
      %mul3A_143 = arith.muli %add3A_141, %mul3A_142 : i32
      %add3A_144 = arith.addi %mul3A_32, %mul3A_143 : i32
      %dma_wait3A_145 = arith.constant 0 : i32
      %dma_wait3A_146 = tpu.memref_slice %arg2[%select_n3A, %add3A_144, %dma_wait3A_145] : memref<16x2048x1024xf32, #tpu.memory_space<hbm>> -> memref<1x16x1024xf32, #tpu.memory_space<hbm>>
      %dma_wait3A_147 = tpu.memref_squeeze %dma_wait3A_146 : memref<1x16x1024xf32, #tpu.memory_space<hbm>> -> memref<16x1024xf32, #tpu.memory_space<hbm>>
      %dma_wait3A_148 = arith.constant 0 : i32
      %dma_wait3A_149 = tpu.memref_slice %arg2[%select_n3A, %add3A_144, %dma_wait3A_148] : memref<16x2048x1024xf32, #tpu.memory_space<hbm>> -> memref<1x16x1024xf32, #tpu.memory_space<hbm>>
      %dma_wait3A_150 = tpu.memref_squeeze %dma_wait3A_149 : memref<1x16x1024xf32, #tpu.memory_space<hbm>> -> memref<16x1024xf32, #tpu.memory_space<hbm>>
      tpu.wait_dma2 semaphore(%arg8 : memref<!tpu.dma_semaphore, #tpu.memory_space<semaphore_mem>>) src(%dma_wait3A_150 : memref<16x1024xf32, #tpu.memory_space<hbm>>) dst(%arg4 : memref<16x1024xf32, #tpu.memory_space<vmem>>)
      %mul3A_151 = arith.constant 4 : i32
      %mul3A_152 = arith.muli %scan3A_69, %mul3A_151 : i32
      %add3A_153 = arith.constant 0 : i32
      %add3A_154 = arith.addi %mul3A_152, %add3A_153 : i32
      %mul3A_155 = arith.constant 16 : i32
      %mul3A_156 = arith.muli %add3A_154, %mul3A_155 : i32
      %add3A_157 = arith.addi %mul3A_32, %mul3A_156 : i32
      %dma_start3A_158 = arith.constant 0 : i32
      %dma_start3A_159 = tpu.memref_slice %arg3[%select_n3A, %add3A_157, %dma_start3A_158] : memref<8x2048x1024xf32, #tpu.memory_space<hbm>> -> memref<1x16x1024xf32, #tpu.memory_space<hbm>>
      %dma_start3A_160 = tpu.memref_squeeze %dma_start3A_159 : memref<1x16x1024xf32, #tpu.memory_space<hbm>> -> memref<16x1024xf32, #tpu.memory_space<hbm>>
      %dma_start3A_161 = arith.constant 0 : i32
      %dma_start3A_162 = tpu.memref_slice %arg3[%select_n3A, %add3A_157, %dma_start3A_161] : memref<8x2048x1024xf32, #tpu.memory_space<hbm>> -> memref<1x16x1024xf32, #tpu.memory_space<hbm>>
      %dma_start3A_163 = tpu.memref_squeeze %dma_start3A_162 : memref<1x16x1024xf32, #tpu.memory_space<hbm>> -> memref<16x1024xf32, #tpu.memory_space<hbm>>
      tpu.enqueue_dma source(%arg4 : memref<16x1024xf32, #tpu.memory_space<vmem>>) target(%dma_start3A_163 : memref<16x1024xf32, #tpu.memory_space<hbm>>) target_semaphore(%arg12 : memref<!tpu.dma_semaphore, #tpu.memory_space<semaphore_mem>>)
      %mul3A_164 = arith.constant 4 : i32
      %mul3A_165 = arith.muli %scan3A_69, %mul3A_164 : i32
      %add3A_166 = arith.constant 1 : i32
      %add3A_167 = arith.addi %mul3A_165, %add3A_166 : i32
      %mul3A_168 = arith.constant 16 : i32
      %mul3A_169 = arith.muli %add3A_167, %mul3A_168 : i32
      %add3A_170 = arith.addi %mul3A_32, %mul3A_169 : i32
      %dma_wait3A_171 = arith.constant 0 : i32
      %dma_wait3A_172 = tpu.memref_slice %arg2[%select_n3A, %add3A_170, %dma_wait3A_171] : memref<16x2048x1024xf32, #tpu.memory_space<hbm>> -> memref<1x16x1024xf32, #tpu.memory_space<hbm>>
      %dma_wait3A_173 = tpu.memref_squeeze %dma_wait3A_172 : memref<1x16x1024xf32, #tpu.memory_space<hbm>> -> memref<16x1024xf32, #tpu.memory_space<hbm>>
      %dma_wait3A_174 = arith.constant 0 : i32
      %dma_wait3A_175 = tpu.memref_slice %arg2[%select_n3A, %add3A_170, %dma_wait3A_174] : memref<16x2048x1024xf32, #tpu.memory_space<hbm>> -> memref<1x16x1024xf32, #tpu.memory_space<hbm>>
      %dma_wait3A_176 = tpu.memref_squeeze %dma_wait3A_175 : memref<1x16x1024xf32, #tpu.memory_space<hbm>> -> memref<16x1024xf32, #tpu.memory_space<hbm>>
      tpu.wait_dma2 semaphore(%arg9 : memref<!tpu.dma_semaphore, #tpu.memory_space<semaphore_mem>>) src(%dma_wait3A_176 : memref<16x1024xf32, #tpu.memory_space<hbm>>) dst(%arg5 : memref<16x1024xf32, #tpu.memory_space<vmem>>)
      %mul3A_177 = arith.constant 4 : i32
      %mul3A_178 = arith.muli %scan3A_69, %mul3A_177 : i32
      %add3A_179 = arith.constant 1 : i32
      %add3A_180 = arith.addi %mul3A_178, %add3A_179 : i32
      %mul3A_181 = arith.constant 16 : i32
      %mul3A_182 = arith.muli %add3A_180, %mul3A_181 : i32
      %add3A_183 = arith.addi %mul3A_32, %mul3A_182 : i32
      %dma_start3A_184 = arith.constant 0 : i32
      %dma_start3A_185 = tpu.memref_slice %arg3[%select_n3A, %add3A_183, %dma_start3A_184] : memref<8x2048x1024xf32, #tpu.memory_space<hbm>> -> memref<1x16x1024xf32, #tpu.memory_space<hbm>>
      %dma_start3A_186 = tpu.memref_squeeze %dma_start3A_185 : memref<1x16x1024xf32, #tpu.memory_space<hbm>> -> memref<16x1024xf32, #tpu.memory_space<hbm>>
      %dma_start3A_187 = arith.constant 0 : i32
      %dma_start3A_188 = tpu.memref_slice %arg3[%select_n3A, %add3A_183, %dma_start3A_187] : memref<8x2048x1024xf32, #tpu.memory_space<hbm>> -> memref<1x16x1024xf32, #tpu.memory_space<hbm>>
      %dma_start3A_189 = tpu.memref_squeeze %dma_start3A_188 : memref<1x16x1024xf32, #tpu.memory_space<hbm>> -> memref<16x1024xf32, #tpu.memory_space<hbm>>
      tpu.enqueue_dma source(%arg5 : memref<16x1024xf32, #tpu.memory_space<vmem>>) target(%dma_start3A_189 : memref<16x1024xf32, #tpu.memory_space<hbm>>) target_semaphore(%arg13 : memref<!tpu.dma_semaphore, #tpu.memory_space<semaphore_mem>>)
      %mul3A_190 = arith.constant 4 : i32
      %mul3A_191 = arith.muli %scan3A_69, %mul3A_190 : i32
      %add3A_192 = arith.constant 2 : i32
      %add3A_193 = arith.addi %mul3A_191, %add3A_192 : i32
      %mul3A_194 = arith.constant 16 : i32
      %mul3A_195 = arith.muli %add3A_193, %mul3A_194 : i32
      %add3A_196 = arith.addi %mul3A_32, %mul3A_195 : i32
      %dma_wait3A_197 = arith.constant 0 : i32
      %dma_wait3A_198 = tpu.memref_slice %arg2[%select_n3A, %add3A_196, %dma_wait3A_197] : memref<16x2048x1024xf32, #tpu.memory_space<hbm>> -> memref<1x16x1024xf32, #tpu.memory_space<hbm>>
      %dma_wait3A_199 = tpu.memref_squeeze %dma_wait3A_198 : memref<1x16x1024xf32, #tpu.memory_space<hbm>> -> memref<16x1024xf32, #tpu.memory_space<hbm>>
      %dma_wait3A_200 = arith.constant 0 : i32
      %dma_wait3A_201 = tpu.memref_slice %arg2[%select_n3A, %add3A_196, %dma_wait3A_200] : memref<16x2048x1024xf32, #tpu.memory_space<hbm>> -> memref<1x16x1024xf32, #tpu.memory_space<hbm>>
      %dma_wait3A_202 = tpu.memref_squeeze %dma_wait3A_201 : memref<1x16x1024xf32, #tpu.memory_space<hbm>> -> memref<16x1024xf32, #tpu.memory_space<hbm>>
      tpu.wait_dma2 semaphore(%arg10 : memref<!tpu.dma_semaphore, #tpu.memory_space<semaphore_mem>>) src(%dma_wait3A_202 : memref<16x1024xf32, #tpu.memory_space<hbm>>) dst(%arg6 : memref<16x1024xf32, #tpu.memory_space<vmem>>)
      %mul3A_203 = arith.constant 4 : i32
      %mul3A_204 = arith.muli %scan3A_69, %mul3A_203 : i32
      %add3A_205 = arith.constant 2 : i32
      %add3A_206 = arith.addi %mul3A_204, %add3A_205 : i32
      %mul3A_207 = arith.constant 16 : i32
      %mul3A_208 = arith.muli %add3A_206, %mul3A_207 : i32
      %add3A_209 = arith.addi %mul3A_32, %mul3A_208 : i32
      %dma_start3A_210 = arith.constant 0 : i32
      %dma_start3A_211 = tpu.memref_slice %arg3[%select_n3A, %add3A_209, %dma_start3A_210] : memref<8x2048x1024xf32, #tpu.memory_space<hbm>> -> memref<1x16x1024xf32, #tpu.memory_space<hbm>>
      %dma_start3A_212 = tpu.memref_squeeze %dma_start3A_211 : memref<1x16x1024xf32, #tpu.memory_space<hbm>> -> memref<16x1024xf32, #tpu.memory_space<hbm>>
      %dma_start3A_213 = arith.constant 0 : i32
      %dma_start3A_214 = tpu.memref_slice %arg3[%select_n3A, %add3A_209, %dma_start3A_213] : memref<8x2048x1024xf32, #tpu.memory_space<hbm>> -> memref<1x16x1024xf32, #tpu.memory_space<hbm>>
      %dma_start3A_215 = tpu.memref_squeeze %dma_start3A_214 : memref<1x16x1024xf32, #tpu.memory_space<hbm>> -> memref<16x1024xf32, #tpu.memory_space<hbm>>
      tpu.enqueue_dma source(%arg6 : memref<16x1024xf32, #tpu.memory_space<vmem>>) target(%dma_start3A_215 : memref<16x1024xf32, #tpu.memory_space<hbm>>) target_semaphore(%arg14 : memref<!tpu.dma_semaphore, #tpu.memory_space<semaphore_mem>>)
      %mul3A_216 = arith.constant 4 : i32
      %mul3A_217 = arith.muli %scan3A_69, %mul3A_216 : i32
      %add3A_218 = arith.constant 3 : i32
      %add3A_219 = arith.addi %mul3A_217, %add3A_218 : i32
      %mul3A_220 = arith.constant 16 : i32
      %mul3A_221 = arith.muli %add3A_219, %mul3A_220 : i32
      %add3A_222 = arith.addi %mul3A_32, %mul3A_221 : i32
      %dma_wait3A_223 = arith.constant 0 : i32
      %dma_wait3A_224 = tpu.memref_slice %arg2[%select_n3A, %add3A_222, %dma_wait3A_223] : memref<16x2048x1024xf32, #tpu.memory_space<hbm>> -> memref<1x16x1024xf32, #tpu.memory_space<hbm>>
      %dma_wait3A_225 = tpu.memref_squeeze %dma_wait3A_224 : memref<1x16x1024xf32, #tpu.memory_space<hbm>> -> memref<16x1024xf32, #tpu.memory_space<hbm>>
      %dma_wait3A_226 = arith.constant 0 : i32
      %dma_wait3A_227 = tpu.memref_slice %arg2[%select_n3A, %add3A_222, %dma_wait3A_226] : memref<16x2048x1024xf32, #tpu.memory_space<hbm>> -> memref<1x16x1024xf32, #tpu.memory_space<hbm>>
      %dma_wait3A_228 = tpu.memref_squeeze %dma_wait3A_227 : memref<1x16x1024xf32, #tpu.memory_space<hbm>> -> memref<16x1024xf32, #tpu.memory_space<hbm>>
      tpu.wait_dma2 semaphore(%arg11 : memref<!tpu.dma_semaphore, #tpu.memory_space<semaphore_mem>>) src(%dma_wait3A_228 : memref<16x1024xf32, #tpu.memory_space<hbm>>) dst(%arg7 : memref<16x1024xf32, #tpu.memory_space<vmem>>)
      %mul3A_229 = arith.constant 4 : i32
      %mul3A_230 = arith.muli %scan3A_69, %mul3A_229 : i32
      %add3A_231 = arith.constant 3 : i32
      %add3A_232 = arith.addi %mul3A_230, %add3A_231 : i32
      %mul3A_233 = arith.constant 16 : i32
      %mul3A_234 = arith.muli %add3A_232, %mul3A_233 : i32
      %add3A_235 = arith.addi %mul3A_32, %mul3A_234 : i32
      %dma_start3A_236 = arith.constant 0 : i32
      %dma_start3A_237 = tpu.memref_slice %arg3[%select_n3A, %add3A_235, %dma_start3A_236] : memref<8x2048x1024xf32, #tpu.memory_space<hbm>> -> memref<1x16x1024xf32, #tpu.memory_space<hbm>>
      %dma_start3A_238 = tpu.memref_squeeze %dma_start3A_237 : memref<1x16x1024xf32, #tpu.memory_space<hbm>> -> memref<16x1024xf32, #tpu.memory_space<hbm>>
      %dma_start3A_239 = arith.constant 0 : i32
      %dma_start3A_240 = tpu.memref_slice %arg3[%select_n3A, %add3A_235, %dma_start3A_239] : memref<8x2048x1024xf32, #tpu.memory_space<hbm>> -> memref<1x16x1024xf32, #tpu.memory_space<hbm>>
      %dma_start3A_241 = tpu.memref_squeeze %dma_start3A_240 : memref<1x16x1024xf32, #tpu.memory_space<hbm>> -> memref<16x1024xf32, #tpu.memory_space<hbm>>
      tpu.enqueue_dma source(%arg7 : memref<16x1024xf32, #tpu.memory_space<vmem>>) target(%dma_start3A_241 : memref<16x1024xf32, #tpu.memory_space<hbm>>) target_semaphore(%arg15 : memref<!tpu.dma_semaphore, #tpu.memory_space<semaphore_mem>>)
    }
    %scan3A_37 = arith.constant 8 : i32
    %add3A_38 = arith.constant 448 : i32
    %add3A_39 = arith.addi %mul3A_32, %add3A_38 : i32
    %dma_wait3A = arith.constant 0 : i32
    %dma_wait3A_40 = tpu.memref_slice %arg3[%select_n3A, %add3A_39, %dma_wait3A] : memref<8x2048x1024xf32, #tpu.memory_space<hbm>> -> memref<1x16x1024xf32, #tpu.memory_space<hbm>>
    %dma_wait3A_41 = tpu.memref_squeeze %dma_wait3A_40 : memref<1x16x1024xf32, #tpu.memory_space<hbm>> -> memref<16x1024xf32, #tpu.memory_space<hbm>>
    %dma_wait3A_42 = arith.constant 0 : i32
    %dma_wait3A_43 = tpu.memref_slice %arg3[%select_n3A, %add3A_39, %dma_wait3A_42] : memref<8x2048x1024xf32, #tpu.memory_space<hbm>> -> memref<1x16x1024xf32, #tpu.memory_space<hbm>>
    %dma_wait3A_44 = tpu.memref_squeeze %dma_wait3A_43 : memref<1x16x1024xf32, #tpu.memory_space<hbm>> -> memref<16x1024xf32, #tpu.memory_space<hbm>>
    tpu.wait_dma2 semaphore(%arg12 : memref<!tpu.dma_semaphore, #tpu.memory_space<semaphore_mem>>) src(%arg4 : memref<16x1024xf32, #tpu.memory_space<vmem>>) dst(%dma_wait3A_44 : memref<16x1024xf32, #tpu.memory_space<hbm>>)
    %add3A_45 = arith.constant 464 : i32
    %add3A_46 = arith.addi %mul3A_32, %add3A_45 : i32
    %dma_wait3A_47 = arith.constant 0 : i32
    %dma_wait3A_48 = tpu.memref_slice %arg3[%select_n3A, %add3A_46, %dma_wait3A_47] : memref<8x2048x1024xf32, #tpu.memory_space<hbm>> -> memref<1x16x1024xf32, #tpu.memory_space<hbm>>
    %dma_wait3A_49 = tpu.memref_squeeze %dma_wait3A_48 : memref<1x16x1024xf32, #tpu.memory_space<hbm>> -> memref<16x1024xf32, #tpu.memory_space<hbm>>
    %dma_wait3A_50 = arith.constant 0 : i32
    %dma_wait3A_51 = tpu.memref_slice %arg3[%select_n3A, %add3A_46, %dma_wait3A_50] : memref<8x2048x1024xf32, #tpu.memory_space<hbm>> -> memref<1x16x1024xf32, #tpu.memory_space<hbm>>
    %dma_wait3A_52 = tpu.memref_squeeze %dma_wait3A_51 : memref<1x16x1024xf32, #tpu.memory_space<hbm>> -> memref<16x1024xf32, #tpu.memory_space<hbm>>
    tpu.wait_dma2 semaphore(%arg13 : memref<!tpu.dma_semaphore, #tpu.memory_space<semaphore_mem>>) src(%arg5 : memref<16x1024xf32, #tpu.memory_space<vmem>>) dst(%dma_wait3A_52 : memref<16x1024xf32, #tpu.memory_space<hbm>>)
    %add3A_53 = arith.constant 480 : i32
    %add3A_54 = arith.addi %mul3A_32, %add3A_53 : i32
    %dma_wait3A_55 = arith.constant 0 : i32
    %dma_wait3A_56 = tpu.memref_slice %arg3[%select_n3A, %add3A_54, %dma_wait3A_55] : memref<8x2048x1024xf32, #tpu.memory_space<hbm>> -> memref<1x16x1024xf32, #tpu.memory_space<hbm>>
    %dma_wait3A_57 = tpu.memref_squeeze %dma_wait3A_56 : memref<1x16x1024xf32, #tpu.memory_space<hbm>> -> memref<16x1024xf32, #tpu.memory_space<hbm>>
    %dma_wait3A_58 = arith.constant 0 : i32
    %dma_wait3A_59 = tpu.memref_slice %arg3[%select_n3A, %add3A_54, %dma_wait3A_58] : memref<8x2048x1024xf32, #tpu.memory_space<hbm>> -> memref<1x16x1024xf32, #tpu.memory_space<hbm>>
    %dma_wait3A_60 = tpu.memref_squeeze %dma_wait3A_59 : memref<1x16x1024xf32, #tpu.memory_space<hbm>> -> memref<16x1024xf32, #tpu.memory_space<hbm>>
    tpu.wait_dma2 semaphore(%arg14 : memref<!tpu.dma_semaphore, #tpu.memory_space<semaphore_mem>>) src(%arg6 : memref<16x1024xf32, #tpu.memory_space<vmem>>) dst(%dma_wait3A_60 : memref<16x1024xf32, #tpu.memory_space<hbm>>)
    %add3A_61 = arith.constant 496 : i32
    %add3A_62 = arith.addi %mul3A_32, %add3A_61 : i32
    %dma_wait3A_63 = arith.constant 0 : i32
    %dma_wait3A_64 = tpu.memref_slice %arg3[%select_n3A, %add3A_62, %dma_wait3A_63] : memref<8x2048x1024xf32, #tpu.memory_space<hbm>> -> memref<1x16x1024xf32, #tpu.memory_space<hbm>>
    %dma_wait3A_65 = tpu.memref_squeeze %dma_wait3A_64 : memref<1x16x1024xf32, #tpu.memory_space<hbm>> -> memref<16x1024xf32, #tpu.memory_space<hbm>>
    %dma_wait3A_66 = arith.constant 0 : i32
    %dma_wait3A_67 = tpu.memref_slice %arg3[%select_n3A, %add3A_62, %dma_wait3A_66] : memref<8x2048x1024xf32, #tpu.memory_space<hbm>> -> memref<1x16x1024xf32, #tpu.memory_space<hbm>>
    %dma_wait3A_68 = tpu.memref_squeeze %dma_wait3A_67 : memref<1x16x1024xf32, #tpu.memory_space<hbm>> -> memref<16x1024xf32, #tpu.memory_space<hbm>>
    tpu.wait_dma2 semaphore(%arg15 : memref<!tpu.dma_semaphore, #tpu.memory_space<semaphore_mem>>) src(%arg7 : memref<16x1024xf32, #tpu.memory_space<vmem>>) dst(%dma_wait3A_68 : memref<16x1024xf32, #tpu.memory_space<hbm>>)
    return
  }
}

#map = affine_map<(d0, d1) -> (0, 0, 0)>
module attributes {stable_mosaic.version = 14 : i64} {
  func.func @_sc_copy(%arg0: i32, %arg1: i32, %arg2: memref<16x2048x1024xf32, #tpu.memory_space<hbm>>, %arg3: memref<8x2048x1024xf32, #tpu.memory_space<hbm>>, %arg4: memref<16x1024xf32, #tpu.memory_space<vmem>>, %arg5: memref<16x1024xf32, #tpu.memory_space<vmem>>, %arg6: memref<16x1024xf32, #tpu.memory_space<vmem>>, %arg7: memref<16x1024xf32, #tpu.memory_space<vmem>>, %arg8: memref<!tpu.dma_semaphore, #tpu.memory_space<semaphore_mem>>, %arg9: memref<!tpu.dma_semaphore, #tpu.memory_space<semaphore_mem>>, %arg10: memref<!tpu.dma_semaphore, #tpu.memory_space<semaphore_mem>>, %arg11: memref<!tpu.dma_semaphore, #tpu.memory_space<semaphore_mem>>, %arg12: memref<!tpu.dma_semaphore, #tpu.memory_space<semaphore_mem>>, %arg13: memref<!tpu.dma_semaphore, #tpu.memory_space<semaphore_mem>>, %arg14: memref<!tpu.dma_semaphore, #tpu.memory_space<semaphore_mem>>, %arg15: memref<!tpu.dma_semaphore, #tpu.memory_space<semaphore_mem>>) attributes {dimension_semantics = [#tpu.dimension_semantics<core_parallel>, #tpu.dimension_semantics<subcore_parallel>], iteration_bounds = array<i64: 2, 16>, scalar_prefetch = 0 : i64, scratch_operands = 12 : i64, tpu.core_type = #tpu.core_type<sc_vector_subcore>, window_params = [{transform_indices = #map}, {transform_indices = #map}]} {
    %mul3A = arith.constant 2 : i32
    %mul3A_0 = arith.muli %arg1, %mul3A : i32
    %add3A = arith.addi %mul3A_0, %arg0 : i32
    %jit3A = arith.constant 4 : i32
    %div3A = arith.divsi %add3A, %jit3A : i32
    %sign3A = arith.constant 0 : i32
    %sign3A_1 = arith.cmpi sgt, %add3A, %sign3A : i32
    %sign3A_2 = arith.extui %sign3A_1 : i1 to i32
    %sign3A_3 = arith.constant 0 : i32
    %sign3A_4 = arith.cmpi slt, %add3A, %sign3A_3 : i32
    %sign3A_5 = arith.extui %sign3A_4 : i1 to i32
    %sign3A_6 = arith.subi %sign3A_2, %sign3A_5 : i32
    %sign3A_7 = arith.constant 0 : i32
    %sign3A_8 = arith.cmpi sgt, %jit3A, %sign3A_7 : i32
    %sign3A_9 = arith.extui %sign3A_8 : i1 to i32
    %sign3A_10 = arith.constant 0 : i32
    %sign3A_11 = arith.cmpi slt, %jit3A, %sign3A_10 : i32
    %sign3A_12 = arith.extui %sign3A_11 : i1 to i32
    %sign3A_13 = arith.subi %sign3A_9, %sign3A_12 : i32
    %ne3A = arith.cmpi ne, %sign3A_6, %sign3A_13 : i32
    %rem3A = arith.remsi %add3A, %jit3A : i32
    %ne3A_14 = arith.constant 0 : i32
    %ne3A_15 = arith.cmpi ne, %rem3A, %ne3A_14 : i32
    %and3A = arith.andi %ne3A, %ne3A_15 : i1
    %sub3A = arith.constant 1 : i32
    %sub3A_16 = arith.subi %div3A, %sub3A : i32
    %select_n3A = arith.select %and3A, %sub3A_16, %div3A : i32
    %jit3A_17 = arith.constant 4 : i32
    %eq3A = arith.constant 0 : i32
    %eq3A_18 = arith.cmpi eq, %jit3A_17, %eq3A : i32
    %jit3A_19 = arith.constant 1 : i32
    %select_n3A_20 = arith.select %eq3A_18, %jit3A_19, %jit3A_17 : i32
    %rem3A_21 = arith.remsi %add3A, %select_n3A_20 : i32
    %ne3A_22 = arith.constant 0 : i32
    %ne3A_23 = arith.cmpi ne, %rem3A_21, %ne3A_22 : i32
    %lt3A = arith.constant 0 : i32
    %lt3A_24 = arith.cmpi slt, %rem3A_21, %lt3A : i32
    %lt3A_25 = arith.constant 0 : i32
    %lt3A_26 = arith.cmpi slt, %select_n3A_20, %lt3A_25 : i32
    %ne3A_27 = arith.xori %lt3A_24, %lt3A_26 : i1
    %and3A_28 = arith.andi %ne3A_27, %ne3A_23 : i1
    %add3A_29 = arith.addi %rem3A_21, %select_n3A_20 : i32
    %select_n3A_30 = arith.select %and3A_28, %add3A_29, %rem3A_21 : i32
    %mul3A_31 = arith.constant 512 : i32
    %mul3A_32 = arith.muli %select_n3A_30, %mul3A_31 : i32
    %scan3A = arith.constant 0 : i32
    %scan3A_33 = arith.constant 0 : i32
    %scan3A_34 = arith.constant 8 : i32
    %scan3A_35 = arith.addi %scan3A_33, %scan3A_34 : i32
    %scan3A_36 = arith.constant 1 : i32
    scf.for %scan3A_69 = %scan3A_33 to %scan3A_35 step %scan3A_36  : i32 {
      %gt3A = arith.constant 0 : i32
      %gt3A_70 = arith.cmpi sgt, %scan3A_69, %gt3A : i32
      %convert_element_type3A = arith.extui %gt3A_70 : i1 to i32
      %cond3A = arith.constant 0 : i32
      %cond3A_71 = arith.cmpi ne, %convert_element_type3A, %cond3A : i32
      scf.if %cond3A_71 {
        %sub3A_242 = arith.constant 1 : i32
        %sub3A_243 = arith.subi %scan3A_69, %sub3A_242 : i32
        %mul3A_244 = arith.constant 4 : i32
        %mul3A_245 = arith.muli %sub3A_243, %mul3A_244 : i32
        %add3A_246 = arith.constant 0 : i32
        %add3A_247 = arith.addi %mul3A_245, %add3A_246 : i32
        %mul3A_248 = arith.constant 16 : i32
        %mul3A_249 = arith.muli %add3A_247, %mul3A_248 : i32
        %add3A_250 = arith.addi %mul3A_32, %mul3A_249 : i32
        %dma_wait3A_251 = arith.constant 0 : i32
        %dma_wait3A_252 = tpu.memref_slice %arg3[%select_n3A, %add3A_250, %dma_wait3A_251] : memref<8x2048x1024xf32, #tpu.memory_space<hbm>> -> memref<1x16x1024xf32, #tpu.memory_space<hbm>>
        %dma_wait3A_253 = tpu.memref_squeeze %dma_wait3A_252 : memref<1x16x1024xf32, #tpu.memory_space<hbm>> -> memref<16x1024xf32, #tpu.memory_space<hbm>>
        %dma_wait3A_254 = arith.constant 0 : i32
        %dma_wait3A_255 = tpu.memref_slice %arg3[%select_n3A, %add3A_250, %dma_wait3A_254] : memref<8x2048x1024xf32, #tpu.memory_space<hbm>> -> memref<1x16x1024xf32, #tpu.memory_space<hbm>>
        %dma_wait3A_256 = tpu.memref_squeeze %dma_wait3A_255 : memref<1x16x1024xf32, #tpu.memory_space<hbm>> -> memref<16x1024xf32, #tpu.memory_space<hbm>>
        tpu.wait_dma2 semaphore(%arg12 : memref<!tpu.dma_semaphore, #tpu.memory_space<semaphore_mem>>) src(%arg4 : memref<16x1024xf32, #tpu.memory_space<vmem>>) dst(%dma_wait3A_256 : memref<16x1024xf32, #tpu.memory_space<hbm>>)
      } else {
      }
      %mul3A_72 = arith.constant 4 : i32
      %mul3A_73 = arith.muli %scan3A_69, %mul3A_72 : i32
      %add3A_74 = arith.constant 0 : i32
      %add3A_75 = arith.addi %mul3A_73, %add3A_74 : i32
      %mul3A_76 = arith.constant 16 : i32
      %mul3A_77 = arith.muli %add3A_75, %mul3A_76 : i32
      %add3A_78 = arith.addi %mul3A_32, %mul3A_77 : i32
      %dma_start3A = arith.constant 0 : i32
      %dma_start3A_79 = tpu.memref_slice %arg2[%select_n3A, %add3A_78, %dma_start3A] : memref<16x2048x1024xf32, #tpu.memory_space<hbm>> -> memref<1x16x1024xf32, #tpu.memory_space<hbm>>
      %dma_start3A_80 = tpu.memref_squeeze %dma_start3A_79 : memref<1x16x1024xf32, #tpu.memory_space<hbm>> -> memref<16x1024xf32, #tpu.memory_space<hbm>>
      %dma_start3A_81 = arith.constant 0 : i32
      %dma_start3A_82 = tpu.memref_slice %arg2[%select_n3A, %add3A_78, %dma_start3A_81] : memref<16x2048x1024xf32, #tpu.memory_space<hbm>> -> memref<1x16x1024xf32, #tpu.memory_space<hbm>>
      %dma_start3A_83 = tpu.memref_squeeze %dma_start3A_82 : memref<1x16x1024xf32, #tpu.memory_space<hbm>> -> memref<16x1024xf32, #tpu.memory_space<hbm>>
      tpu.enqueue_dma source(%dma_start3A_83 : memref<16x1024xf32, #tpu.memory_space<hbm>>) target(%arg4 : memref<16x1024xf32, #tpu.memory_space<vmem>>) target_semaphore(%arg8 : memref<!tpu.dma_semaphore, #tpu.memory_space<semaphore_mem>>)
      %gt3A_84 = arith.constant 0 : i32
      %gt3A_85 = arith.cmpi sgt, %scan3A_69, %gt3A_84 : i32
      %convert_element_type3A_86 = arith.extui %gt3A_85 : i1 to i32
      %cond3A_87 = arith.constant 0 : i32
      %cond3A_88 = arith.cmpi ne, %convert_element_type3A_86, %cond3A_87 : i32
      scf.if %cond3A_88 {
        %sub3A_242 = arith.constant 1 : i32
        %sub3A_243 = arith.subi %scan3A_69, %sub3A_242 : i32
        %mul3A_244 = arith.constant 4 : i32
        %mul3A_245 = arith.muli %sub3A_243, %mul3A_244 : i32
        %add3A_246 = arith.constant 1 : i32
        %add3A_247 = arith.addi %mul3A_245, %add3A_246 : i32
        %mul3A_248 = arith.constant 16 : i32
        %mul3A_249 = arith.muli %add3A_247, %mul3A_248 : i32
        %add3A_250 = arith.addi %mul3A_32, %mul3A_249 : i32
        %dma_wait3A_251 = arith.constant 0 : i32
        %dma_wait3A_252 = tpu.memref_slice %arg3[%select_n3A, %add3A_250, %dma_wait3A_251] : memref<8x2048x1024xf32, #tpu.memory_space<hbm>> -> memref<1x16x1024xf32, #tpu.memory_space<hbm>>
        %dma_wait3A_253 = tpu.memref_squeeze %dma_wait3A_252 : memref<1x16x1024xf32, #tpu.memory_space<hbm>> -> memref<16x1024xf32, #tpu.memory_space<hbm>>
        %dma_wait3A_254 = arith.constant 0 : i32
        %dma_wait3A_255 = tpu.memref_slice %arg3[%select_n3A, %add3A_250, %dma_wait3A_254] : memref<8x2048x1024xf32, #tpu.memory_space<hbm>> -> memref<1x16x1024xf32, #tpu.memory_space<hbm>>
        %dma_wait3A_256 = tpu.memref_squeeze %dma_wait3A_255 : memref<1x16x1024xf32, #tpu.memory_space<hbm>> -> memref<16x1024xf32, #tpu.memory_space<hbm>>
        tpu.wait_dma2 semaphore(%arg13 : memref<!tpu.dma_semaphore, #tpu.memory_space<semaphore_mem>>) src(%arg5 : memref<16x1024xf32, #tpu.memory_space<vmem>>) dst(%dma_wait3A_256 : memref<16x1024xf32, #tpu.memory_space<hbm>>)
      } else {
      }
      %mul3A_89 = arith.constant 4 : i32
      %mul3A_90 = arith.muli %scan3A_69, %mul3A_89 : i32
      %add3A_91 = arith.constant 1 : i32
      %add3A_92 = arith.addi %mul3A_90, %add3A_91 : i32
      %mul3A_93 = arith.constant 16 : i32
      %mul3A_94 = arith.muli %add3A_92, %mul3A_93 : i32
      %add3A_95 = arith.addi %mul3A_32, %mul3A_94 : i32
      %dma_start3A_96 = arith.constant 0 : i32
      %dma_start3A_97 = tpu.memref_slice %arg2[%select_n3A, %add3A_95, %dma_start3A_96] : memref<16x2048x1024xf32, #tpu.memory_space<hbm>> -> memref<1x16x1024xf32, #tpu.memory_space<hbm>>
      %dma_start3A_98 = tpu.memref_squeeze %dma_start3A_97 : memref<1x16x1024xf32, #tpu.memory_space<hbm>> -> memref<16x1024xf32, #tpu.memory_space<hbm>>
      %dma_start3A_99 = arith.constant 0 : i32
      %dma_start3A_100 = tpu.memref_slice %arg2[%select_n3A, %add3A_95, %dma_start3A_99] : memref<16x2048x1024xf32, #tpu.memory_space<hbm>> -> memref<1x16x1024xf32, #tpu.memory_space<hbm>>
      %dma_start3A_101 = tpu.memref_squeeze %dma_start3A_100 : memref<1x16x1024xf32, #tpu.memory_space<hbm>> -> memref<16x1024xf32, #tpu.memory_space<hbm>>
      tpu.enqueue_dma source(%dma_start3A_101 : memref<16x1024xf32, #tpu.memory_space<hbm>>) target(%arg5 : memref<16x1024xf32, #tpu.memory_space<vmem>>) target_semaphore(%arg9 : memref<!tpu.dma_semaphore, #tpu.memory_space<semaphore_mem>>)
      %gt3A_102 = arith.constant 0 : i32
      %gt3A_103 = arith.cmpi sgt, %scan3A_69, %gt3A_102 : i32
      %convert_element_type3A_104 = arith.extui %gt3A_103 : i1 to i32
      %cond3A_105 = arith.constant 0 : i32
      %cond3A_106 = arith.cmpi ne, %convert_element_type3A_104, %cond3A_105 : i32
      scf.if %cond3A_106 {
        %sub3A_242 = arith.constant 1 : i32
        %sub3A_243 = arith.subi %scan3A_69, %sub3A_242 : i32
        %mul3A_244 = arith.constant 4 : i32
        %mul3A_245 = arith.muli %sub3A_243, %mul3A_244 : i32
        %add3A_246 = arith.constant 2 : i32
        %add3A_247 = arith.addi %mul3A_245, %add3A_246 : i32
        %mul3A_248 = arith.constant 16 : i32
        %mul3A_249 = arith.muli %add3A_247, %mul3A_248 : i32
        %add3A_250 = arith.addi %mul3A_32, %mul3A_249 : i32
        %dma_wait3A_251 = arith.constant 0 : i32
        %dma_wait3A_252 = tpu.memref_slice %arg3[%select_n3A, %add3A_250, %dma_wait3A_251] : memref<8x2048x1024xf32, #tpu.memory_space<hbm>> -> memref<1x16x1024xf32, #tpu.memory_space<hbm>>
        %dma_wait3A_253 = tpu.memref_squeeze %dma_wait3A_252 : memref<1x16x1024xf32, #tpu.memory_space<hbm>> -> memref<16x1024xf32, #tpu.memory_space<hbm>>
        %dma_wait3A_254 = arith.constant 0 : i32
        %dma_wait3A_255 = tpu.memref_slice %arg3[%select_n3A, %add3A_250, %dma_wait3A_254] : memref<8x2048x1024xf32, #tpu.memory_space<hbm>> -> memref<1x16x1024xf32, #tpu.memory_space<hbm>>
        %dma_wait3A_256 = tpu.memref_squeeze %dma_wait3A_255 : memref<1x16x1024xf32, #tpu.memory_space<hbm>> -> memref<16x1024xf32, #tpu.memory_space<hbm>>
        tpu.wait_dma2 semaphore(%arg14 : memref<!tpu.dma_semaphore, #tpu.memory_space<semaphore_mem>>) src(%arg6 : memref<16x1024xf32, #tpu.memory_space<vmem>>) dst(%dma_wait3A_256 : memref<16x1024xf32, #tpu.memory_space<hbm>>)
      } else {
      }
      %mul3A_107 = arith.constant 4 : i32
      %mul3A_108 = arith.muli %scan3A_69, %mul3A_107 : i32
      %add3A_109 = arith.constant 2 : i32
      %add3A_110 = arith.addi %mul3A_108, %add3A_109 : i32
      %mul3A_111 = arith.constant 16 : i32
      %mul3A_112 = arith.muli %add3A_110, %mul3A_111 : i32
      %add3A_113 = arith.addi %mul3A_32, %mul3A_112 : i32
      %dma_start3A_114 = arith.constant 0 : i32
      %dma_start3A_115 = tpu.memref_slice %arg2[%select_n3A, %add3A_113, %dma_start3A_114] : memref<16x2048x1024xf32, #tpu.memory_space<hbm>> -> memref<1x16x1024xf32, #tpu.memory_space<hbm>>
      %dma_start3A_116 = tpu.memref_squeeze %dma_start3A_115 : memref<1x16x1024xf32, #tpu.memory_space<hbm>> -> memref<16x1024xf32, #tpu.memory_space<hbm>>
      %dma_start3A_117 = arith.constant 0 : i32
      %dma_start3A_118 = tpu.memref_slice %arg2[%select_n3A, %add3A_113, %dma_start3A_117] : memref<16x2048x1024xf32, #tpu.memory_space<hbm>> -> memref<1x16x1024xf32, #tpu.memory_space<hbm>>
      %dma_start3A_119 = tpu.memref_squeeze %dma_start3A_118 : memref<1x16x1024xf32, #tpu.memory_space<hbm>> -> memref<16x1024xf32, #tpu.memory_space<hbm>>
      tpu.enqueue_dma source(%dma_start3A_119 : memref<16x1024xf32, #tpu.memory_space<hbm>>) target(%arg6 : memref<16x1024xf32, #tpu.memory_space<vmem>>) target_semaphore(%arg10 : memref<!tpu.dma_semaphore, #tpu.memory_space<semaphore_mem>>)
      %gt3A_120 = arith.constant 0 : i32
      %gt3A_121 = arith.cmpi sgt, %scan3A_69, %gt3A_120 : i32
      %convert_element_type3A_122 = arith.extui %gt3A_121 : i1 to i32
      %cond3A_123 = arith.constant 0 : i32
      %cond3A_124 = arith.cmpi ne, %convert_element_type3A_122, %cond3A_123 : i32
      scf.if %cond3A_124 {
        %sub3A_242 = arith.constant 1 : i32
        %sub3A_243 = arith.subi %scan3A_69, %sub3A_242 : i32
        %mul3A_244 = arith.constant 4 : i32
        %mul3A_245 = arith.muli %sub3A_243, %mul3A_244 : i32
        %add3A_246 = arith.constant 3 : i32
        %add3A_247 = arith.addi %mul3A_245, %add3A_246 : i32
        %mul3A_248 = arith.constant 16 : i32
        %mul3A_249 = arith.muli %add3A_247, %mul3A_248 : i32
        %add3A_250 = arith.addi %mul3A_32, %mul3A_249 : i32
        %dma_wait3A_251 = arith.constant 0 : i32
        %dma_wait3A_252 = tpu.memref_slice %arg3[%select_n3A, %add3A_250, %dma_wait3A_251] : memref<8x2048x1024xf32, #tpu.memory_space<hbm>> -> memref<1x16x1024xf32, #tpu.memory_space<hbm>>
        %dma_wait3A_253 = tpu.memref_squeeze %dma_wait3A_252 : memref<1x16x1024xf32, #tpu.memory_space<hbm>> -> memref<16x1024xf32, #tpu.memory_space<hbm>>
        %dma_wait3A_254 = arith.constant 0 : i32
        %dma_wait3A_255 = tpu.memref_slice %arg3[%select_n3A, %add3A_250, %dma_wait3A_254] : memref<8x2048x1024xf32, #tpu.memory_space<hbm>> -> memref<1x16x1024xf32, #tpu.memory_space<hbm>>
        %dma_wait3A_256 = tpu.memref_squeeze %dma_wait3A_255 : memref<1x16x1024xf32, #tpu.memory_space<hbm>> -> memref<16x1024xf32, #tpu.memory_space<hbm>>
        tpu.wait_dma2 semaphore(%arg15 : memref<!tpu.dma_semaphore, #tpu.memory_space<semaphore_mem>>) src(%arg7 : memref<16x1024xf32, #tpu.memory_space<vmem>>) dst(%dma_wait3A_256 : memref<16x1024xf32, #tpu.memory_space<hbm>>)
      } else {
      }
      %mul3A_125 = arith.constant 4 : i32
      %mul3A_126 = arith.muli %scan3A_69, %mul3A_125 : i32
      %add3A_127 = arith.constant 3 : i32
      %add3A_128 = arith.addi %mul3A_126, %add3A_127 : i32
      %mul3A_129 = arith.constant 16 : i32
      %mul3A_130 = arith.muli %add3A_128, %mul3A_129 : i32
      %add3A_131 = arith.addi %mul3A_32, %mul3A_130 : i32
      %dma_start3A_132 = arith.constant 0 : i32
      %dma_start3A_133 = tpu.memref_slice %arg2[%select_n3A, %add3A_131, %dma_start3A_132] : memref<16x2048x1024xf32, #tpu.memory_space<hbm>> -> memref<1x16x1024xf32, #tpu.memory_space<hbm>>
      %dma_start3A_134 = tpu.memref_squeeze %dma_start3A_133 : memref<1x16x1024xf32, #tpu.memory_space<hbm>> -> memref<16x1024xf32, #tpu.memory_space<hbm>>
      %dma_start3A_135 = arith.constant 0 : i32
      %dma_start3A_136 = tpu.memref_slice %arg2[%select_n3A, %add3A_131, %dma_start3A_135] : memref<16x2048x1024xf32, #tpu.memory_space<hbm>> -> memref<1x16x1024xf32, #tpu.memory_space<hbm>>
      %dma_start3A_137 = tpu.memref_squeeze %dma_start3A_136 : memref<1x16x1024xf32, #tpu.memory_space<hbm>> -> memref<16x1024xf32, #tpu.memory_space<hbm>>
      tpu.enqueue_dma source(%dma_start3A_137 : memref<16x1024xf32, #tpu.memory_space<hbm>>) target(%arg7 : memref<16x1024xf32, #tpu.memory_space<vmem>>) target_semaphore(%arg11 : memref<!tpu.dma_semaphore, #tpu.memory_space<semaphore_mem>>)
      %mul3A_138 = arith.constant 4 : i32
      %mul3A_139 = arith.muli %scan3A_69, %mul3A_138 : i32
      %add3A_140 = arith.constant 0 : i32
      %add3A_141 = arith.addi %mul3A_139, %add3A_140 : i32
      %mul3A_142 = arith.constant 16 : i32
      %mul3A_143 = arith.muli %add3A_141, %mul3A_142 : i32
      %add3A_144 = arith.addi %mul3A_32, %mul3A_143 : i32
      %dma_wait3A_145 = arith.constant 0 : i32
      %dma_wait3A_146 = tpu.memref_slice %arg2[%select_n3A, %add3A_144, %dma_wait3A_145] : memref<16x2048x1024xf32, #tpu.memory_space<hbm>> -> memref<1x16x1024xf32, #tpu.memory_space<hbm>>
      %dma_wait3A_147 = tpu.memref_squeeze %dma_wait3A_146 : memref<1x16x1024xf32, #tpu.memory_space<hbm>> -> memref<16x1024xf32, #tpu.memory_space<hbm>>
      %dma_wait3A_148 = arith.constant 0 : i32
      %dma_wait3A_149 = tpu.memref_slice %arg2[%select_n3A, %add3A_144, %dma_wait3A_148] : memref<16x2048x1024xf32, #tpu.memory_space<hbm>> -> memref<1x16x1024xf32, #tpu.memory_space<hbm>>
      %dma_wait3A_150 = tpu.memref_squeeze %dma_wait3A_149 : memref<1x16x1024xf32, #tpu.memory_space<hbm>> -> memref<16x1024xf32, #tpu.memory_space<hbm>>
      tpu.wait_dma2 semaphore(%arg8 : memref<!tpu.dma_semaphore, #tpu.memory_space<semaphore_mem>>) src(%dma_wait3A_150 : memref<16x1024xf32, #tpu.memory_space<hbm>>) dst(%arg4 : memref<16x1024xf32, #tpu.memory_space<vmem>>)
      %mul3A_151 = arith.constant 4 : i32
      %mul3A_152 = arith.muli %scan3A_69, %mul3A_151 : i32
      %add3A_153 = arith.constant 0 : i32
      %add3A_154 = arith.addi %mul3A_152, %add3A_153 : i32
      %mul3A_155 = arith.constant 16 : i32
      %mul3A_156 = arith.muli %add3A_154, %mul3A_155 : i32
      %add3A_157 = arith.addi %mul3A_32, %mul3A_156 : i32
      %dma_start3A_158 = arith.constant 0 : i32
      %dma_start3A_159 = tpu.memref_slice %arg3[%select_n3A, %add3A_157, %dma_start3A_158] : memref<8x2048x1024xf32, #tpu.memory_space<hbm>> -> memref<1x16x1024xf32, #tpu.memory_space<hbm>>
      %dma_start3A_160 = tpu.memref_squeeze %dma_start3A_159 : memref<1x16x1024xf32, #tpu.memory_space<hbm>> -> memref<16x1024xf32, #tpu.memory_space<hbm>>
      %dma_start3A_161 = arith.constant 0 : i32
      %dma_start3A_162 = tpu.memref_slice %arg3[%select_n3A, %add3A_157, %dma_start3A_161] : memref<8x2048x1024xf32, #tpu.memory_space<hbm>> -> memref<1x16x1024xf32, #tpu.memory_space<hbm>>
      %dma_start3A_163 = tpu.memref_squeeze %dma_start3A_162 : memref<1x16x1024xf32, #tpu.memory_space<hbm>> -> memref<16x1024xf32, #tpu.memory_space<hbm>>
      tpu.enqueue_dma source(%arg4 : memref<16x1024xf32, #tpu.memory_space<vmem>>) target(%dma_start3A_163 : memref<16x1024xf32, #tpu.memory_space<hbm>>) target_semaphore(%arg12 : memref<!tpu.dma_semaphore, #tpu.memory_space<semaphore_mem>>)
      %mul3A_164 = arith.constant 4 : i32
      %mul3A_165 = arith.muli %scan3A_69, %mul3A_164 : i32
      %add3A_166 = arith.constant 1 : i32
      %add3A_167 = arith.addi %mul3A_165, %add3A_166 : i32
      %mul3A_168 = arith.constant 16 : i32
      %mul3A_169 = arith.muli %add3A_167, %mul3A_168 : i32
      %add3A_170 = arith.addi %mul3A_32, %mul3A_169 : i32
      %dma_wait3A_171 = arith.constant 0 : i32
      %dma_wait3A_172 = tpu.memref_slice %arg2[%select_n3A, %add3A_170, %dma_wait3A_171] : memref<16x2048x1024xf32, #tpu.memory_space<hbm>> -> memref<1x16x1024xf32, #tpu.memory_space<hbm>>
      %dma_wait3A_173 = tpu.memref_squeeze %dma_wait3A_172 : memref<1x16x1024xf32, #tpu.memory_space<hbm>> -> memref<16x1024xf32, #tpu.memory_space<hbm>>
      %dma_wait3A_174 = arith.constant 0 : i32
      %dma_wait3A_175 = tpu.memref_slice %arg2[%select_n3A, %add3A_170, %dma_wait3A_174] : memref<16x2048x1024xf32, #tpu.memory_space<hbm>> -> memref<1x16x1024xf32, #tpu.memory_space<hbm>>
      %dma_wait3A_176 = tpu.memref_squeeze %dma_wait3A_175 : memref<1x16x1024xf32, #tpu.memory_space<hbm>> -> memref<16x1024xf32, #tpu.memory_space<hbm>>
      tpu.wait_dma2 semaphore(%arg9 : memref<!tpu.dma_semaphore, #tpu.memory_space<semaphore_mem>>) src(%dma_wait3A_176 : memref<16x1024xf32, #tpu.memory_space<hbm>>) dst(%arg5 : memref<16x1024xf32, #tpu.memory_space<vmem>>)
      %mul3A_177 = arith.constant 4 : i32
      %mul3A_178 = arith.muli %scan3A_69, %mul3A_177 : i32
      %add3A_179 = arith.constant 1 : i32
      %add3A_180 = arith.addi %mul3A_178, %add3A_179 : i32
      %mul3A_181 = arith.constant 16 : i32
      %mul3A_182 = arith.muli %add3A_180, %mul3A_181 : i32
      %add3A_183 = arith.addi %mul3A_32, %mul3A_182 : i32
      %dma_start3A_184 = arith.constant 0 : i32
      %dma_start3A_185 = tpu.memref_slice %arg3[%select_n3A, %add3A_183, %dma_start3A_184] : memref<8x2048x1024xf32, #tpu.memory_space<hbm>> -> memref<1x16x1024xf32, #tpu.memory_space<hbm>>
      %dma_start3A_186 = tpu.memref_squeeze %dma_start3A_185 : memref<1x16x1024xf32, #tpu.memory_space<hbm>> -> memref<16x1024xf32, #tpu.memory_space<hbm>>
      %dma_start3A_187 = arith.constant 0 : i32
      %dma_start3A_188 = tpu.memref_slice %arg3[%select_n3A, %add3A_183, %dma_start3A_187] : memref<8x2048x1024xf32, #tpu.memory_space<hbm>> -> memref<1x16x1024xf32, #tpu.memory_space<hbm>>
      %dma_start3A_189 = tpu.memref_squeeze %dma_start3A_188 : memref<1x16x1024xf32, #tpu.memory_space<hbm>> -> memref<16x1024xf32, #tpu.memory_space<hbm>>
      tpu.enqueue_dma source(%arg5 : memref<16x1024xf32, #tpu.memory_space<vmem>>) target(%dma_start3A_189 : memref<16x1024xf32, #tpu.memory_space<hbm>>) target_semaphore(%arg13 : memref<!tpu.dma_semaphore, #tpu.memory_space<semaphore_mem>>)
      %mul3A_190 = arith.constant 4 : i32
      %mul3A_191 = arith.muli %scan3A_69, %mul3A_190 : i32
      %add3A_192 = arith.constant 2 : i32
      %add3A_193 = arith.addi %mul3A_191, %add3A_192 : i32
      %mul3A_194 = arith.constant 16 : i32
      %mul3A_195 = arith.muli %add3A_193, %mul3A_194 : i32
      %add3A_196 = arith.addi %mul3A_32, %mul3A_195 : i32
      %dma_wait3A_197 = arith.constant 0 : i32
      %dma_wait3A_198 = tpu.memref_slice %arg2[%select_n3A, %add3A_196, %dma_wait3A_197] : memref<16x2048x1024xf32, #tpu.memory_space<hbm>> -> memref<1x16x1024xf32, #tpu.memory_space<hbm>>
      %dma_wait3A_199 = tpu.memref_squeeze %dma_wait3A_198 : memref<1x16x1024xf32, #tpu.memory_space<hbm>> -> memref<16x1024xf32, #tpu.memory_space<hbm>>
      %dma_wait3A_200 = arith.constant 0 : i32
      %dma_wait3A_201 = tpu.memref_slice %arg2[%select_n3A, %add3A_196, %dma_wait3A_200] : memref<16x2048x1024xf32, #tpu.memory_space<hbm>> -> memref<1x16x1024xf32, #tpu.memory_space<hbm>>
      %dma_wait3A_202 = tpu.memref_squeeze %dma_wait3A_201 : memref<1x16x1024xf32, #tpu.memory_space<hbm>> -> memref<16x1024xf32, #tpu.memory_space<hbm>>
      tpu.wait_dma2 semaphore(%arg10 : memref<!tpu.dma_semaphore, #tpu.memory_space<semaphore_mem>>) src(%dma_wait3A_202 : memref<16x1024xf32, #tpu.memory_space<hbm>>) dst(%arg6 : memref<16x1024xf32, #tpu.memory_space<vmem>>)
      %mul3A_203 = arith.constant 4 : i32
      %mul3A_204 = arith.muli %scan3A_69, %mul3A_203 : i32
      %add3A_205 = arith.constant 2 : i32
      %add3A_206 = arith.addi %mul3A_204, %add3A_205 : i32
      %mul3A_207 = arith.constant 16 : i32
      %mul3A_208 = arith.muli %add3A_206, %mul3A_207 : i32
      %add3A_209 = arith.addi %mul3A_32, %mul3A_208 : i32
      %dma_start3A_210 = arith.constant 0 : i32
      %dma_start3A_211 = tpu.memref_slice %arg3[%select_n3A, %add3A_209, %dma_start3A_210] : memref<8x2048x1024xf32, #tpu.memory_space<hbm>> -> memref<1x16x1024xf32, #tpu.memory_space<hbm>>
      %dma_start3A_212 = tpu.memref_squeeze %dma_start3A_211 : memref<1x16x1024xf32, #tpu.memory_space<hbm>> -> memref<16x1024xf32, #tpu.memory_space<hbm>>
      %dma_start3A_213 = arith.constant 0 : i32
      %dma_start3A_214 = tpu.memref_slice %arg3[%select_n3A, %add3A_209, %dma_start3A_213] : memref<8x2048x1024xf32, #tpu.memory_space<hbm>> -> memref<1x16x1024xf32, #tpu.memory_space<hbm>>
      %dma_start3A_215 = tpu.memref_squeeze %dma_start3A_214 : memref<1x16x1024xf32, #tpu.memory_space<hbm>> -> memref<16x1024xf32, #tpu.memory_space<hbm>>
      tpu.enqueue_dma source(%arg6 : memref<16x1024xf32, #tpu.memory_space<vmem>>) target(%dma_start3A_215 : memref<16x1024xf32, #tpu.memory_space<hbm>>) target_semaphore(%arg14 : memref<!tpu.dma_semaphore, #tpu.memory_space<semaphore_mem>>)
      %mul3A_216 = arith.constant 4 : i32
      %mul3A_217 = arith.muli %scan3A_69, %mul3A_216 : i32
      %add3A_218 = arith.constant 3 : i32
      %add3A_219 = arith.addi %mul3A_217, %add3A_218 : i32
      %mul3A_220 = arith.constant 16 : i32
      %mul3A_221 = arith.muli %add3A_219, %mul3A_220 : i32
      %add3A_222 = arith.addi %mul3A_32, %mul3A_221 : i32
      %dma_wait3A_223 = arith.constant 0 : i32
      %dma_wait3A_224 = tpu.memref_slice %arg2[%select_n3A, %add3A_222, %dma_wait3A_223] : memref<16x2048x1024xf32, #tpu.memory_space<hbm>> -> memref<1x16x1024xf32, #tpu.memory_space<hbm>>
      %dma_wait3A_225 = tpu.memref_squeeze %dma_wait3A_224 : memref<1x16x1024xf32, #tpu.memory_space<hbm>> -> memref<16x1024xf32, #tpu.memory_space<hbm>>
      %dma_wait3A_226 = arith.constant 0 : i32
      %dma_wait3A_227 = tpu.memref_slice %arg2[%select_n3A, %add3A_222, %dma_wait3A_226] : memref<16x2048x1024xf32, #tpu.memory_space<hbm>> -> memref<1x16x1024xf32, #tpu.memory_space<hbm>>
      %dma_wait3A_228 = tpu.memref_squeeze %dma_wait3A_227 : memref<1x16x1024xf32, #tpu.memory_space<hbm>> -> memref<16x1024xf32, #tpu.memory_space<hbm>>
      tpu.wait_dma2 semaphore(%arg11 : memref<!tpu.dma_semaphore, #tpu.memory_space<semaphore_mem>>) src(%dma_wait3A_228 : memref<16x1024xf32, #tpu.memory_space<hbm>>) dst(%arg7 : memref<16x1024xf32, #tpu.memory_space<vmem>>)
      %mul3A_229 = arith.constant 4 : i32
      %mul3A_230 = arith.muli %scan3A_69, %mul3A_229 : i32
      %add3A_231 = arith.constant 3 : i32
      %add3A_232 = arith.addi %mul3A_230, %add3A_231 : i32
      %mul3A_233 = arith.constant 16 : i32
      %mul3A_234 = arith.muli %add3A_232, %mul3A_233 : i32
      %add3A_235 = arith.addi %mul3A_32, %mul3A_234 : i32
      %dma_start3A_236 = arith.constant 0 : i32
      %dma_start3A_237 = tpu.memref_slice %arg3[%select_n3A, %add3A_235, %dma_start3A_236] : memref<8x2048x1024xf32, #tpu.memory_space<hbm>> -> memref<1x16x1024xf32, #tpu.memory_space<hbm>>
      %dma_start3A_238 = tpu.memref_squeeze %dma_start3A_237 : memref<1x16x1024xf32, #tpu.memory_space<hbm>> -> memref<16x1024xf32, #tpu.memory_space<hbm>>
      %dma_start3A_239 = arith.constant 0 : i32
      %dma_start3A_240 = tpu.memref_slice %arg3[%select_n3A, %add3A_235, %dma_start3A_239] : memref<8x2048x1024xf32, #tpu.memory_space<hbm>> -> memref<1x16x1024xf32, #tpu.memory_space<hbm>>
      %dma_start3A_241 = tpu.memref_squeeze %dma_start3A_240 : memref<1x16x1024xf32, #tpu.memory_space<hbm>> -> memref<16x1024xf32, #tpu.memory_space<hbm>>
      tpu.enqueue_dma source(%arg7 : memref<16x1024xf32, #tpu.memory_space<vmem>>) target(%dma_start3A_241 : memref<16x1024xf32, #tpu.memory_space<hbm>>) target_semaphore(%arg15 : memref<!tpu.dma_semaphore, #tpu.memory_space<semaphore_mem>>)
    }
    %scan3A_37 = arith.constant 8 : i32
    %add3A_38 = arith.constant 448 : i32
    %add3A_39 = arith.addi %mul3A_32, %add3A_38 : i32
    %dma_wait3A = arith.constant 0 : i32
    %dma_wait3A_40 = tpu.memref_slice %arg3[%select_n3A, %add3A_39, %dma_wait3A] : memref<8x2048x1024xf32, #tpu.memory_space<hbm>> -> memref<1x16x1024xf32, #tpu.memory_space<hbm>>
    %dma_wait3A_41 = tpu.memref_squeeze %dma_wait3A_40 : memref<1x16x1024xf32, #tpu.memory_space<hbm>> -> memref<16x1024xf32, #tpu.memory_space<hbm>>
    %dma_wait3A_42 = arith.constant 0 : i32
    %dma_wait3A_43 = tpu.memref_slice %arg3[%select_n3A, %add3A_39, %dma_wait3A_42] : memref<8x2048x1024xf32, #tpu.memory_space<hbm>> -> memref<1x16x1024xf32, #tpu.memory_space<hbm>>
    %dma_wait3A_44 = tpu.memref_squeeze %dma_wait3A_43 : memref<1x16x1024xf32, #tpu.memory_space<hbm>> -> memref<16x1024xf32, #tpu.memory_space<hbm>>
    tpu.wait_dma2 semaphore(%arg12 : memref<!tpu.dma_semaphore, #tpu.memory_space<semaphore_mem>>) src(%arg4 : memref<16x1024xf32, #tpu.memory_space<vmem>>) dst(%dma_wait3A_44 : memref<16x1024xf32, #tpu.memory_space<hbm>>)
    %add3A_45 = arith.constant 464 : i32
    %add3A_46 = arith.addi %mul3A_32, %add3A_45 : i32
    %dma_wait3A_47 = arith.constant 0 : i32
    %dma_wait3A_48 = tpu.memref_slice %arg3[%select_n3A, %add3A_46, %dma_wait3A_47] : memref<8x2048x1024xf32, #tpu.memory_space<hbm>> -> memref<1x16x1024xf32, #tpu.memory_space<hbm>>
    %dma_wait3A_49 = tpu.memref_squeeze %dma_wait3A_48 : memref<1x16x1024xf32, #tpu.memory_space<hbm>> -> memref<16x1024xf32, #tpu.memory_space<hbm>>
    %dma_wait3A_50 = arith.constant 0 : i32
    %dma_wait3A_51 = tpu.memref_slice %arg3[%select_n3A, %add3A_46, %dma_wait3A_50] : memref<8x2048x1024xf32, #tpu.memory_space<hbm>> -> memref<1x16x1024xf32, #tpu.memory_space<hbm>>
    %dma_wait3A_52 = tpu.memref_squeeze %dma_wait3A_51 : memref<1x16x1024xf32, #tpu.memory_space<hbm>> -> memref<16x1024xf32, #tpu.memory_space<hbm>>
    tpu.wait_dma2 semaphore(%arg13 : memref<!tpu.dma_semaphore, #tpu.memory_space<semaphore_mem>>) src(%arg5 : memref<16x1024xf32, #tpu.memory_space<vmem>>) dst(%dma_wait3A_52 : memref<16x1024xf32, #tpu.memory_space<hbm>>)
    %add3A_53 = arith.constant 480 : i32
    %add3A_54 = arith.addi %mul3A_32, %add3A_53 : i32
    %dma_wait3A_55 = arith.constant 0 : i32
    %dma_wait3A_56 = tpu.memref_slice %arg3[%select_n3A, %add3A_54, %dma_wait3A_55] : memref<8x2048x1024xf32, #tpu.memory_space<hbm>> -> memref<1x16x1024xf32, #tpu.memory_space<hbm>>
    %dma_wait3A_57 = tpu.memref_squeeze %dma_wait3A_56 : memref<1x16x1024xf32, #tpu.memory_space<hbm>> -> memref<16x1024xf32, #tpu.memory_space<hbm>>
    %dma_wait3A_58 = arith.constant 0 : i32
    %dma_wait3A_59 = tpu.memref_slice %arg3[%select_n3A, %add3A_54, %dma_wait3A_58] : memref<8x2048x1024xf32, #tpu.memory_space<hbm>> -> memref<1x16x1024xf32, #tpu.memory_space<hbm>>
    %dma_wait3A_60 = tpu.memref_squeeze %dma_wait3A_59 : memref<1x16x1024xf32, #tpu.memory_space<hbm>> -> memref<16x1024xf32, #tpu.memory_space<hbm>>
    tpu.wait_dma2 semaphore(%arg14 : memref<!tpu.dma_semaphore, #tpu.memory_space<semaphore_mem>>) src(%arg6 : memref<16x1024xf32, #tpu.memory_space<vmem>>) dst(%dma_wait3A_60 : memref<16x1024xf32, #tpu.memory_space<hbm>>)
    %add3A_61 = arith.constant 496 : i32
    %add3A_62 = arith.addi %mul3A_32, %add3A_61 : i32
    %dma_wait3A_63 = arith.constant 0 : i32
    %dma_wait3A_64 = tpu.memref_slice %arg3[%select_n3A, %add3A_62, %dma_wait3A_63] : memref<8x2048x1024xf32, #tpu.memory_space<hbm>> -> memref<1x16x1024xf32, #tpu.memory_space<hbm>>
    %dma_wait3A_65 = tpu.memref_squeeze %dma_wait3A_64 : memref<1x16x1024xf32, #tpu.memory_space<hbm>> -> memref<16x1024xf32, #tpu.memory_space<hbm>>
    %dma_wait3A_66 = arith.constant 0 : i32
    %dma_wait3A_67 = tpu.memref_slice %arg3[%select_n3A, %add3A_62, %dma_wait3A_66] : memref<8x2048x1024xf32, #tpu.memory_space<hbm>> -> memref<1x16x1024xf32, #tpu.memory_space<hbm>>
    %dma_wait3A_68 = tpu.memref_squeeze %dma_wait3A_67 : memref<1x16x1024xf32, #tpu.memory_space<hbm>> -> memref<16x1024xf32, #tpu.memory_space<hbm>>
    tpu.wait_dma2 semaphore(%arg15 : memref<!tpu.dma_semaphore, #tpu.memory_space<semaphore_mem>>) src(%arg7 : memref<16x1024xf32, #tpu.memory_space<vmem>>) dst(%dma_wait3A_68 : memref<16x1024xf32, #tpu.memory_space<hbm>>)
    return
  }
}

</mosaic_0001>

<sc_bundles>
// kernel: kernel.4.cloned.1.call-start
scs
__scs_entry_jumppad:
0x0: {  	(pc) =	sbr.rel $0x88, $3  }
0x1: {  	(tag) =	ssettag $0x0;
	lr =	simm.s32 $0x1  }
0x2: {  	[smem:$0x3F9F] =	sst lr;
	_ =	strace $0xD0000000  }
0x3: {  	_ = 	snop  }
0x4: {  	_ = 	snop  }
0x5: {  	_ = 	snop  }
0x6: {  	_ = 	snop  }
0x7: {  	_ = 	snop  }
__scs_overlays_trampoline_lowered:
0x8: {  	[smem:$0x3FAE] =	sst s0  }
0x9: {  	[smem:$0x3FAF] =	sst s1  }
0xa: {  	[smem:$0x3FB0] =	sst s2  }
0xb: {  	[smem:$0x3FB1] =	sst s3  }
0xc: {  	[smem:$0x3FB2] =	sst s4  }
0xd: {  	[smem:$0x3FB3] =	sst s5  }
0xe: {  	[smem:$0x3FB4] =	sst s6  }
0xf: {  	[smem:$0x3FB5] =	sst s7  }
0x10: {  	[smem:$0x3FB6] =	sst s8  }
0x11: {  	[smem:$0x3FB7] =	sst s9;
	s0 =	simm.s32 @!p0 $0x0  }
0x12: {  	s1 =	sld [smem:$0x3F9D];
	s0 =	simm.s32 @p0 $0x1  }
0x13: {  	[smem:$0x3FB8] =	sst s0;
	s0 =	simm.s32 @!p1 $0x0  }
0x14: {  	s2 =	sld [smem:$0x3F9C];
	s0 =	simm.s32 @p1 $0x1  }
0x15: {  	[smem:$0x3FB9] =	sst s0;
	s0 =	simm.s32 @!p2 $0x0  }
0x16: {  	s3 =	sld [smem:$0x3FDB];
	s0 =	simm.s32 @p2 $0x1  }
0x17: {  	s4 =	simm.s32 $0x1BF5;
	[smem:$0x3FBB] =	sst s0  }
0x18: {  	s0 =	sld [smem:$0x3F9E];
	_ =	swait.ge [sflag:s4], $0x0  }
0x19: {  	s7 =	sld [smem:$0x3F9F]  }
0x1a: {  	s8 =	sadd.s32 $0xFFFFE003, lr  }
0x1b: {  	s9 =	sadd.s32 $0xFFFFFEF7, lr;
	s5 =	simm.s32 $0xFFFFFFFF;
	p2 =	slt.u32 s8, $0xFFFFF086  }
0x1c: {  	p1 =	slt.u32 s9, $0xF7A;
	s5 =	simm.s32 @!p2 $0x0  }
0x1d: {  	s5 =	simm.s32 @p1 $0x1;
	p0 =	seq.s32 s7, s2  }
0x1e: {  	s7 =	smul.u32 @!p0 $0xF7A, s2;
	p2 =	seq.s32 @!p0 s5, $0x0  }
0x1f: {  	s9 =	smul.u32 $0xF7A, s1;
	s8 =	simm.s32 @!p0 $0x1BF5;
	p2 =	por !p2, p0  }
0x20: {  	[sflag:s8] =	ssyncset.s32 @!p0 $0xFFFFF086;
	s6 =	sadd.s32 @!p0 s3, s7;
	s7 =	simm.s32 @!p0 $0x108  }
0x21: {  	s3 =	sadd.s32 s3, s9;
	s6 =	sadd.s32 @!p0 $0x88, s6;
	s7 =	simm.s32 @p2 $0x1082  }
0x22: {  	[simem:s7], [sflag:s8] =	dma.local @!p0 [hbm:s6], $0xF7A  }
0x23: {  	s9 =	sor.u32 $0xD0000000, s2;
	s6 =	simm.s32 $0x108;
	_ =	swait.ge @!p0 [sflag:s8], $0x0  }
0x24: {  	s3 =	sadd.s32 $0x88, s3;
	s6 =	simm.s32 @!p1 $0x1082;
	[sflag:s4] =	ssyncset.s32 $0xFFFFF086  }
0x25: {  	[simem:s6], [sflag:s4] =	dma.local [hbm:s3], $0xF7A  }
0x26: {  	[smem:$0x3F9F] =	sst s1;
	(tag) =	ssettag s2;
	_ =	strace s9  }
0x27: {  	s1 =	sld [smem:$0x3FAF]  }
0x28: {  	s2 =	sld [smem:$0x3FB0]  }
0x29: {  	s4 =	sld [smem:$0x3FB2]  }
0x2a: {  	p0 =	seq.s32 s5, $0x0;
	s5 =	sld [smem:$0x3FB3]  }
0x2b: {  	s6 =	sld [smem:$0x3FB4]  }
0x2c: {  	s7 =	sld [smem:$0x3FB5]  }
0x2d: {  	s3 =	simm.s32 $0x108;
	s8 =	sld [smem:$0x3FB6]  }
0x2e: {  	s3 =	simm.s32 @!p0 $0x1082;
	s9 =	sld [smem:$0x3FB7]  }
0x2f: {  	lr =	sadd.s32 s0, s3;
	s0 =	sld [smem:$0x3FAE]  }
0x30: {  	s3 =	sld [smem:$0x3FB1]  }
0x31: {  	[smem:$0x3FBA] =	sst s10  }
0x32: {  	s10 =	sld [smem:$0x3FB8];
	_ =	sdelay $0x3  }
0x33: {  	p0 =	seq.s32 s10, $0x1;
	s10 =	sld [smem:$0x3FBA];
	_ =	sdelay $0x3  }
0x34: {  	[smem:$0x3FBA] =	sst s10  }
0x35: {  	s10 =	sld [smem:$0x3FB9];
	_ =	sdelay $0x3  }
0x36: {  	p1 =	seq.s32 s10, $0x1;
	s10 =	sld [smem:$0x3FBA];
	_ =	sdelay $0x3  }
0x37: {  	[smem:$0x3FBA] =	sst s10  }
0x38: {  	s10 =	sld [smem:$0x3FBB]  }
0x39: {  	_ = 	snop;
	(pc) =	sbr.ind lr, $3  }
0x3a: {  	_ = 	snop  }
0x3b: {  	_ = 	snop  }
0x3c: {  	p2 =	seq.s32 s10, $0x1;
	s10 =	sld [smem:$0x3FBA]  }
0x3d: {  	_ =	shalt  }
0x3e: {  	_ =	shalt  }
0x3f: {  	_ =	shalt  }
0x40: {  	_ =	shalt  }
0x41: {  	_ =	shalt  }
0x42: {  	_ =	shalt  }
0x43: {  	_ =	shalt  }
0x44: {  	_ =	shalt  }
0x45: {  	_ =	shalt  }
0x46: {  	_ =	shalt  }
0x47: {  	_ =	shalt  }
0x48: {  	_ =	shalt  }
0x49: {  	_ =	shalt  }
0x4a: {  	_ =	shalt  }
0x4b: {  	_ =	shalt  }
0x4c: {  	_ =	shalt  }
0x4d: {  	_ =	shalt  }
0x4e: {  	_ =	shalt  }
0x4f: {  	_ =	shalt  }
0x50: {  	_ =	shalt  }
0x51: {  	_ =	shalt  }
0x52: {  	_ =	shalt  }
0x53: {  	_ =	shalt  }
0x54: {  	_ =	shalt  }
0x55: {  	_ =	shalt  }
0x56: {  	_ =	shalt  }
0x57: {  	_ =	shalt  }
0x58: {  	_ =	shalt  }
0x59: {  	_ =	shalt  }
0x5a: {  	_ =	shalt  }
0x5b: {  	_ =	shalt  }
0x5c: {  	_ =	shalt  }
0x5d: {  	_ =	shalt  }
0x5e: {  	_ =	shalt  }
0x5f: {  	_ =	shalt  }
0x60: {  	_ =	shalt  }
0x61: {  	_ =	shalt  }
0x62: {  	_ =	shalt  }
0x63: {  	_ =	shalt  }
0x64: {  	_ =	shalt  }
0x65: {  	_ =	shalt  }
0x66: {  	_ =	shalt  }
0x67: {  	_ =	shalt  }
0x68: {  	_ =	shalt  }
0x69: {  	_ =	shalt  }
0x6a: {  	_ =	shalt  }
0x6b: {  	_ =	shalt  }
0x6c: {  	_ =	shalt  }
0x6d: {  	_ =	shalt  }
0x6e: {  	_ =	shalt  }
0x6f: {  	_ =	shalt  }
0x70: {  	_ =	shalt  }
0x71: {  	_ =	shalt  }
0x72: {  	_ =	shalt  }
0x73: {  	_ =	shalt  }
0x74: {  	_ =	shalt  }
0x75: {  	_ =	shalt  }
0x76: {  	_ =	shalt  }
0x77: {  	_ =	shalt  }
0x78: {  	_ =	shalt  }
0x79: {  	_ =	shalt  }
0x7a: {  	_ =	shalt  }
0x7b: {  	_ =	shalt  }
0x7c: {  	_ =	shalt  }
0x7d: {  	_ =	shalt  }
0x7e: {  	_ =	shalt  }
0x7f: {  	_ =	shalt  }
0x80: {  	_ =	shalt  }
0x81: {  	_ =	shalt  }
0x82: {  	_ =	shalt  }
0x83: {  	_ =	shalt  }
0x84: {  	_ =	shalt  }
0x85: {  	_ =	shalt  }
0x86: {  	_ =	shalt  }
0x87: {  	_ =	shalt  }
.Lfunc_end0:
.L_simem_size_0:
called_computation_lowered:
.L_overlay_start_0:
0x88: {  	s2 =	sld [smem:$0x3FD9]  }
0x89: {  	s3 =	sld [smem:$0x3FFE];
	_ =	sdelay $0x1  }
0x8a: {  	s1 =	srdreg.scid  }
0x8b: {  	s0 =	sand.u32 $0x1, s1  }
0x8c: {  	s14 =	sshll.u32 s0, $0xA;
	s2 =	sadd.s32 s3, s2  }
0x8d: {  	s2 =	sadd.s32 s2, s14  }
0x8e: {  	[smem:$0x3FC6] =	sst s2  }
0x8f: {  	_ = 	snop  }
0x90: {  	s2 =	sld [smem:$0x3FD0];
	_ =	sdelay $0x2  }
0x91: {  	s15 =	simm.s32 $0xB;
	s4 =	simm.s32 $0x10  }
0x92: {  	[smem:s4], [sflag:s15] =	dma.local [hbm:s2], $0x1  }
0x93: {  	_ =	swait.eq [sflag:s15], $0x1  }
0x94: {  	[sflag:s15] =	ssyncset.done $0x0  }
0x95: {  	[sflag:s15] =	ssyncadd.s32 $0xFFFFFFFF  }
0x96: {  	s16 =	sld [smem:$0x11];
	(tm) =	ssettm $0x1  }
0x97: {  	s17 =	sld [smem:$0x3FFB];
	_ =	sdelay $0x3  }
0x98: {  	_ =	strace s17  }
0x99: {  	s3 =	sld [smem:$0x3FFC];
	_ =	sdelay $0x3  }
0x9a: {  	_ =	strace s3  }
0x9b: {  	s3 =	sld [smem:$0x3FFD];
	_ =	sdelay $0x3  }
0x9c: {  	_ =	strace s3  }
0x9d: {  	_ =	strace $0x8FFFFFFF  }
0x9e: {  	s18 =	sld [smem:$0x3FDB];
	_ =	sdelay $0x1  }
0x9f: {  	s19 =	simm.s32 $_scs_section_size  }
0xa0: {  	s5 =	simm.s32 $_size__tile_overlayer_lowered;
	s6 =	simm.s32 $_tile_overlayer_lowered  }
0xa1: {  	s22 =	simm.s32 $0x1BFF;
	s21 =	sshll.u32 s6, $0x1;
	s3 =	sadd.s32 s19, s18  }
0xa2: {  	s7 =	simm.s32 $0x0;
	s20 =	sshll.u32 s5, $0x1;
	s5 =	sadd.s32 s21, s3  }
0xa3: {  	[timem:s7], [sflag:s22] =	dma.local [hbm:s5], s20  }
0xa4: {  	_ =	swait.ge [sflag:s22], s20  }
0xa5: {  	s4 =	ssub.s32 $0x0, s20;
	[sflag:s22] =	ssyncset.done $0x0  }
0xa6: {  	[sflag:s22] =	ssyncadd.s32 s4;
	_ =	sdelay $0x1  }
0xa7: {  	s23 =	simm.s32 $0x1B8B  }
0xa8: {  	_ =	swait.ge [sflag:s23], $0x1  }
0xa9: {  	[sflag:s23] =	ssyncset.done $0x0  }
0xaa: {  	s25 =	simm.s32 $0x1B8E;
	s24 =	sld [smem:$0x3FFE];
	[sflag:s23] =	ssyncadd.s32 $0xFFFFFFFF  }
0xab: {  	s26 =	simm.s32 $execute0_lowered;
	[smem:$0x3FD2] =	sst s25  }
0xac: {  	s5 =	sshll.u32 s26, $0x1;
	_ =	strace $0x80000046;
	[dreg:$0x1] =	wrdreg $0xFFFFFFFF  }
0xad: {  	s28 =	simm.s32 $_size_execute0_lowered;
	s3 =	sadd.s32 s3, s5;
	[dreg:$0x0] =	wrdreg $0x0  }
0xae: {  	s5 =	sshll.u32 s28, $0x1;
	[dreg:$0x2] =	wrdreg s3  }
0xaf: {  	[dreg:$0x3] =	wrdreg s5  }
0xb0: {  	[dreg:$0x4] =	wrdreg $0xC0  }
0xb1: {  	_ =	task [dreg:s7], $0x5FFFF  }
0xb2: {  	[dreg:$0x1] =	wrdreg $0xFFFFFFFF  }
0xb3: {  	[dreg:$0x0] =	wrdreg $0x60  }
0xb4: {  	[dreg:$0x2] =	wrdreg s24  }
0xb5: {  	[dreg:$0x3] =	wrdreg s16  }
0xb6: {  	[dreg:$0x4] =	wrdreg $0x9  }
0xb7: {  	_ =	task.clear_ibuf [dreg:s7], $0x5FFFF;
	_ =	strace $0x90000046  }
0xb8: {  	s29 =	simm.s32 $0x9;
	_ =	strace $0x80000048  }
0xb9: {  	_ =	swait.ge [sflag:s29], $0x1  }
0xba: {  	[sflag:s29] =	ssyncadd.s32 $0xFFFFFFFF  }
0xbb: {  	_ =	strace $0x90000048  }
0xbc: {  	_ =	sfence  }
0xbd: {  	s30 =	sld [smem:$0x0];
	_ =	sdelay $0x2  }
0xbe: {  	s31 =	sshll.u32 s1, $0xD;
	s1 =	sshrl.u32 s1, $0x2  }
0xbf: {  	s3 =	sand.u32 $0x4000, s31;
	s1 =	sadd.s32 s1, s30  }
0xc0: {  	s0 =	sor.u32 s3, s0;
	s1 =	sshll.u32 s1, $0x11  }
0xc1: {  	s0 =	sor.u32 s1, s0  }
0xc2: {  	s0 =	sadd.s32 $0x8F2B, s0  }
0xc3: {  	[sflag:s0] =	ssyncadd.remote.s32 $0x1  }
0xc4: {  	_ =	sfence.sel $0xFFFF  }
0xc5: {  	[dreg:$0x0] =	wrdreg $0xFFFFFFFF;
	(pc) =	sbr.abs _section_cstart, $3  }
0xc6: {  	[dreg:$0x1] =	wrdreg $0xFFFFFFFF  }
0xc7: {  	_ =	task.clear_ibuf [dreg:s7], $0x2FFFF;
	_ =	strace $0x9FFFFFFF  }
0xc8: {  	(tm) =	ssettm $0x7FFFFFFF  }
0xc9: {  	_ =	shalt  }
tec
execute0_lowered:
.L_overlay_start_1:
0x0: {  	(tag) =	ssettag $0x1  }
0x1: {  	s3 =	rddreg [dreg:$0x0]  }
0x2: {  	s10 =	rddreg [dreg:$0x1]  }
0x3: {  	s0 =	rddreg [dreg:$0x2]  }
0x4: {  	s2 =	simm.s32 $0x0;
	s1 =	stileid.u32;
	s4 =	srdreg.scid  }
0x5: {  	s14 =	simm.s32 $0xC000;
	s15 =	simm.s32 $0x1;
	s16 =	simm.s32 $0x2  }
0x6: {  	s17 =	simm.s32 $0x3;
	s18 =	simm.s32 $0x4;
	s19 =	simm.s32 $0x5  }
0x7: {  	s20 =	simm.s32 $0x6;
	s21 =	simm.s32 $0x7;
	s22 =	simm.s32 $0x8  }
0x8: {  	s23 =	simm.s32 $0x0;
	[smem:$0x7FF] =	sst s2;
	s5 =	sshll.u32 s1, $0x14  }
0x9: {  	s6 =	sand.u32 $0x1, s1;
	s4 =	sand.u32 $0x1, s4;
	s11 =	sadd.s32 $0x800, s3  }
0xa: {  	s5 =	sand.u32 $0xE00000, s5;
	s6 =	sshll.u32 s6, $0x14;
	s7 =	ssub.s32 $0x2, s4  }
0xb: {  	s4 =	sshll.u32 s4, $0x13;
	s5 =	sor.u32 s6, s5;
	s26 =	sshrl.u32 s7, $0x1  }
0xc: {  	_ =	strace $0x80000047;
	s9 =	sor.u32 s4, s5;
	s28 =	ssub.s32 s7, s26  }
0xd: {  	s4 =	sor.u32 $0x8000, s9;
	s3 =	smax.u32 s28, $0x1;
	s30 =	sor.u32 $0x4000, s9  }
0xe: {  	s8 =	sor.u32 $0xC000, s9;
	s13 =	sshrl.u32 s9, $0x3;
	s29 =	sshrl.u32 s4, $0x3  }
0xf: {  	s31 =	sshrl.u32 s30, $0x3;
	s12 =	sshrl.u32 s8, $0x3;
	s4 =	sadd.s32 s29, s10  }
0x10: {  	s5 =	sadd.s32 s29, s11;
	s6 =	sadd.s32 s31, s10;
	s7 =	sadd.s32 s31, s11  }
0x11: {  	s8 =	sadd.s32 s12, s10;
	s9 =	sadd.s32 s12, s11;
	s10 =	sadd.s32 s13, s10  }
0x12: {  	s11 =	sadd.s32 s13, s11;
	s12 =	simm.s32 $0x4000;
	s13 =	simm.s32 $0x8000  }
.LBB2_1:
0x13: {  	p0 =	por $0x1, $0x1  }
0x14: {  	s24 =	simm.s32 @!p0 $0x5  }
0x15: {  	_ =	swait.ge @!p0 [sflag:s24], $0x4000  }
0x16: {  	[sflag:s24] =	ssyncset.done @!p0 $0x0  }
0x17: {  	s29 =	sadd.s32 $0x0, s11;
	s25 =	simm.s32 @!p0 $0x6;
	[sflag:s24] =	ssyncadd.s32 @!p0 $0xFFFFC000  }
0x18: {  	[tilespmem:s2], [sflag:$0x1] =	stream.linear.gather [hbm4b:s29+s2], $0x4000, $0x38;
	[tilespmem:$0x10000] =	vst v63  }
0x19: {  	_ =	swait.ge @!p0 [sflag:s25], $0x4000  }
0x1a: {  	[sflag:s25] =	ssyncset.done @!p0 $0x0  }
0x1b: {  	s30 =	sadd.s32 $0x0, s7;
	[sflag:s25] =	ssyncadd.s32 @!p0 $0xFFFFC000;
	s25 =	simm.s32 @!p0 $0x7  }
0x1c: {  	[tilespmem:s12], [sflag:$0x2] =	stream.linear.gather [hbm4b:s30+s2], $0x4000, $0x38;
	[tilespmem:$0x10000] =	vst v63  }
0x1d: {  	_ =	swait.ge @!p0 [sflag:s25], $0x4000  }
0x1e: {  	[sflag:s25] =	ssyncset.done @!p0 $0x0  }
0x1f: {  	s31 =	sadd.s32 $0x0, s5;
	[sflag:s25] =	ssyncadd.s32 @!p0 $0xFFFFC000;
	s25 =	simm.s32 @!p0 $0x8  }
0x20: {  	[tilespmem:s13], [sflag:$0x3] =	stream.linear.gather [hbm4b:s31+s2], $0x4000, $0x38;
	[tilespmem:$0x10000] =	vst v63  }
0x21: {  	_ =	swait.ge @!p0 [sflag:s25], $0x4000  }
0x22: {  	[sflag:s25] =	ssyncset.done @!p0 $0x0  }
0x23: {  	s26 =	sadd.s32 $0x0, s9;
	[sflag:s25] =	ssyncadd.s32 @!p0 $0xFFFFC000  }
0x24: {  	[tilespmem:s14], [sflag:$0x4] =	stream.linear.gather [hbm4b:s26+s2], $0x4000, $0x38;
	[tilespmem:$0x10000] =	vst v63  }
0x25: {  	_ =	swait.ge [sflag:s15], $0x4000  }
0x26: {  	[sflag:s15] =	ssyncset.done $0x0  }
0x27: {  	s29 =	sadd.s32 $0x0, s10;
	[sflag:s15] =	ssyncadd.s32 $0xFFFFC000  }
0x28: {  	[hbm4b:s29+s2] =	stream.linear.scatter [tilespmem:s2], [sflag:$0x5], $0x4000, $0x38;
	[tilespmem:$0x10000] =	vst v63  }
0x29: {  	_ =	swait.ge [sflag:s16], $0x4000  }
0x2a: {  	[sflag:s16] =	ssyncset.done $0x0  }
0x2b: {  	s30 =	sadd.s32 $0x0, s6;
	[sflag:s16] =	ssyncadd.s32 $0xFFFFC000  }
0x2c: {  	[hbm4b:s30+s2] =	stream.linear.scatter [tilespmem:s12], [sflag:$0x6], $0x4000, $0x38;
	[tilespmem:$0x10000] =	vst v63  }
0x2d: {  	_ =	swait.ge [sflag:s17], $0x4000  }
0x2e: {  	[sflag:s17] =	ssyncset.done $0x0  }
0x2f: {  	s31 =	sadd.s32 $0x0, s4;
	[sflag:s17] =	ssyncadd.s32 $0xFFFFC000  }
0x30: {  	[hbm4b:s31+s2] =	stream.linear.scatter [tilespmem:s13], [sflag:$0x7], $0x4000, $0x38;
	[tilespmem:$0x10000] =	vst v63  }
0x31: {  	s28 =	sadd.s32 $0x0, s8;
	s24 =	simm.s32 $0x2000;
	_ =	swait.ge [sflag:s18], $0x4000  }
0x32: {  	s25 =	simm.s32 $0x4000;
	p0 =	por $0x0, $0x0;
	[sflag:s18] =	ssyncset.done $0x0  }
.LBB2_2:
0x33: {  	s29 =	simm.s32 @!p0 $0x5;
	[sflag:s18] =	ssyncadd.s32 $0xFFFFC000  }
0x34: {  	s26 =	smov.u32 s24;
	s24 =	smov.u32 s25;
	s25 =	sadd.s32 $0x2000, s25  }
0x35: {  	[hbm4b:s28+s2] =	stream.linear.scatter [tilespmem:s14], [sflag:$0x8], $0x4000, $0x38;
	[tilespmem:$0x10000] =	vst v63  }
0x36: {  	p1 =	sne.s32 s25, $0x10000;
	_ =	swait.ge @!p0 [sflag:s29], $0x4000  }
0x37: {  	[sflag:s29] =	ssyncset.done @!p0 $0x0  }
0x38: {  	s28 =	sadd.s32 s26, s11;
	[sflag:s29] =	ssyncadd.s32 @!p0 $0xFFFFC000;
	s29 =	simm.s32 @!p0 $0x6  }
0x39: {  	[tilespmem:s2], [sflag:$0x1] =	stream.linear.gather [hbm4b:s28+s2], $0x4000, $0x38;
	[tilespmem:$0x10000] =	vst v63  }
0x3a: {  	_ =	swait.ge @!p0 [sflag:s29], $0x4000  }
0x3b: {  	[sflag:s29] =	ssyncset.done @!p0 $0x0  }
0x3c: {  	s28 =	sadd.s32 s26, s7;
	[sflag:s29] =	ssyncadd.s32 @!p0 $0xFFFFC000;
	s29 =	simm.s32 @!p0 $0x7  }
0x3d: {  	[tilespmem:s12], [sflag:$0x2] =	stream.linear.gather [hbm4b:s28+s2], $0x4000, $0x38;
	[tilespmem:$0x10000] =	vst v63  }
0x3e: {  	_ =	swait.ge @!p0 [sflag:s29], $0x4000  }
0x3f: {  	[sflag:s29] =	ssyncset.done @!p0 $0x0  }
0x40: {  	s28 =	sadd.s32 s26, s5;
	[sflag:s29] =	ssyncadd.s32 @!p0 $0xFFFFC000;
	s29 =	simm.s32 @!p0 $0x8  }
0x41: {  	[tilespmem:s13], [sflag:$0x3] =	stream.linear.gather [hbm4b:s28+s2], $0x4000, $0x38;
	[tilespmem:$0x10000] =	vst v63  }
0x42: {  	_ =	swait.ge @!p0 [sflag:s29], $0x4000  }
0x43: {  	[sflag:s29] =	ssyncset.done @!p0 $0x0  }
0x44: {  	s28 =	sadd.s32 s26, s9;
	[sflag:s29] =	ssyncadd.s32 @!p0 $0xFFFFC000  }
0x45: {  	[tilespmem:s14], [sflag:$0x4] =	stream.linear.gather [hbm4b:s28+s2], $0x4000, $0x38;
	[tilespmem:$0x10000] =	vst v63  }
0x46: {  	_ =	swait.ge [sflag:s15], $0x4000  }
0x47: {  	[sflag:s15] =	ssyncset.done $0x0  }
0x48: {  	s28 =	sadd.s32 s26, s10;
	[sflag:s15] =	ssyncadd.s32 $0xFFFFC000  }
0x49: {  	[hbm4b:s28+s2] =	stream.linear.scatter [tilespmem:s2], [sflag:$0x5], $0x4000, $0x38;
	[tilespmem:$0x10000] =	vst v63  }
0x4a: {  	_ =	swait.ge [sflag:s16], $0x4000  }
0x4b: {  	[sflag:s16] =	ssyncset.done $0x0  }
0x4c: {  	s28 =	sadd.s32 s26, s6;
	[sflag:s16] =	ssyncadd.s32 $0xFFFFC000  }
0x4d: {  	[hbm4b:s28+s2] =	stream.linear.scatter [tilespmem:s12], [sflag:$0x6], $0x4000, $0x38;
	[tilespmem:$0x10000] =	vst v63  }
0x4e: {  	_ =	swait.ge [sflag:s17], $0x4000  }
.Ltmp0:
0x4f: {  	[sflag:s17] =	ssyncset.done $0x0;
	(pc) =	sbr.rel @p1 .LBB2_2-.Ltmp0, $4  }
0x50: {  	s28 =	sadd.s32 s26, s4;
	[sflag:s17] =	ssyncadd.s32 $0xFFFFC000  }
0x51: {  	[hbm4b:s28+s2] =	stream.linear.scatter [tilespmem:s13], [sflag:$0x7], $0x4000, $0x38;
	[tilespmem:$0x10000] =	vst v63  }
0x52: {  	_ =	swait.ge [sflag:s18], $0x4000  }
0x53: {  	p0 =	seq.s32 s24, $0x0;
	s28 =	sadd.s32 s26, s8;
	[sflag:s18] =	ssyncset.done $0x0  }
0x54: {  	s25 =	simm.s32 @!p0 $0x5;
	[sflag:s18] =	ssyncadd.s32 $0xFFFFC000  }
0x55: {  	[hbm4b:s28+s2] =	stream.linear.scatter [tilespmem:s14], [sflag:$0x8], $0x4000, $0x38;
	[tilespmem:$0x10000] =	vst v63  }
0x56: {  	_ =	swait.ge @!p0 [sflag:s25], $0x4000  }
0x57: {  	[sflag:s25] =	ssyncset.done @!p0 $0x0  }
0x58: {  	s29 =	sadd.s32 s24, s11;
	s26 =	simm.s32 @!p0 $0x6;
	[sflag:s25] =	ssyncadd.s32 @!p0 $0xFFFFC000  }
0x59: {  	[tilespmem:s2], [sflag:$0x1] =	stream.linear.gather [hbm4b:s29+s2], $0x4000, $0x38;
	[tilespmem:$0x10000] =	vst v63  }
0x5a: {  	_ =	swait.ge @!p0 [sflag:s26], $0x4000  }
0x5b: {  	[sflag:s26] =	ssyncset.done @!p0 $0x0  }
0x5c: {  	s30 =	sadd.s32 s24, s7;
	[sflag:s26] =	ssyncadd.s32 @!p0 $0xFFFFC000;
	s26 =	simm.s32 @!p0 $0x7  }
0x5d: {  	[tilespmem:s12], [sflag:$0x2] =	stream.linear.gather [hbm4b:s30+s2], $0x4000, $0x38;
	[tilespmem:$0x10000] =	vst v63  }
0x5e: {  	_ =	swait.ge @!p0 [sflag:s26], $0x4000  }
0x5f: {  	[sflag:s26] =	ssyncset.done @!p0 $0x0  }
0x60: {  	s31 =	sadd.s32 s24, s5;
	[sflag:s26] =	ssyncadd.s32 @!p0 $0xFFFFC000;
	s26 =	simm.s32 @!p0 $0x8  }
0x61: {  	[tilespmem:s13], [sflag:$0x3] =	stream.linear.gather [hbm4b:s31+s2], $0x4000, $0x38;
	[tilespmem:$0x10000] =	vst v63  }
0x62: {  	_ =	swait.ge @!p0 [sflag:s26], $0x4000  }
0x63: {  	[sflag:s26] =	ssyncset.done @!p0 $0x0  }
0x64: {  	[sflag:s26] =	ssyncadd.s32 @!p0 $0xFFFFC000;
	s26 =	sadd.s32 s24, s9  }
0x65: {  	[tilespmem:s14], [sflag:$0x4] =	stream.linear.gather [hbm4b:s26+s2], $0x4000, $0x38;
	[tilespmem:$0x10000] =	vst v63  }
0x66: {  	_ =	swait.ge [sflag:s15], $0x4000  }
0x67: {  	[sflag:s15] =	ssyncset.done $0x0  }
0x68: {  	s28 =	sadd.s32 s24, s10;
	[sflag:s15] =	ssyncadd.s32 $0xFFFFC000  }
0x69: {  	[hbm4b:s28+s2] =	stream.linear.scatter [tilespmem:s2], [sflag:$0x5], $0x4000, $0x38;
	[tilespmem:$0x10000] =	vst v63  }
0x6a: {  	_ =	swait.ge [sflag:s16], $0x4000  }
0x6b: {  	[sflag:s16] =	ssyncset.done $0x0  }
0x6c: {  	s29 =	sadd.s32 s24, s6;
	[sflag:s16] =	ssyncadd.s32 $0xFFFFC000  }
0x6d: {  	[hbm4b:s29+s2] =	stream.linear.scatter [tilespmem:s12], [sflag:$0x6], $0x4000, $0x38;
	[tilespmem:$0x10000] =	vst v63  }
0x6e: {  	_ =	swait.ge [sflag:s17], $0x4000  }
0x6f: {  	[sflag:s17] =	ssyncset.done $0x0  }
0x70: {  	s30 =	sadd.s32 s24, s4;
	[sflag:s17] =	ssyncadd.s32 $0xFFFFC000  }
0x71: {  	[hbm4b:s30+s2] =	stream.linear.scatter [tilespmem:s13], [sflag:$0x7], $0x4000, $0x38;
	[tilespmem:$0x10000] =	vst v63  }
0x72: {  	_ =	swait.ge [sflag:s18], $0x4000  }
0x73: {  	[sflag:s18] =	ssyncset.done $0x0  }
0x74: {  	s31 =	sadd.s32 s24, s8;
	[sflag:s18] =	ssyncadd.s32 $0xFFFFC000  }
0x75: {  	[hbm4b:s31+s2] =	stream.linear.scatter [tilespmem:s14], [sflag:$0x8], $0x4000, $0x38;
	[tilespmem:$0x10000] =	vst v63  }
0x76: {  	_ =	swait.ge [sflag:s19], $0x4000  }
0x77: {  	[sflag:s19] =	ssyncset.done $0x0  }
0x78: {  	[sflag:s19] =	ssyncadd.s32 $0xFFFFC000  }
0x79: {  	_ =	swait.ge [sflag:s20], $0x4000  }
0x7a: {  	[sflag:s20] =	ssyncset.done $0x0  }
0x7b: {  	s23 =	sadd.s32 $0x1, s23;
	[sflag:s20] =	ssyncadd.s32 $0xFFFFC000  }
0x7c: {  	p0 =	sne.s32 s23, s3;
	_ =	swait.ge [sflag:s21], $0x4000  }
.Ltmp1:
0x7d: {  	[sflag:s21] =	ssyncset.done $0x0;
	(pc) =	sbr.rel @p0 .LBB2_1-.Ltmp1, $4  }
0x7e: {  	[sflag:s21] =	ssyncadd.s32 $0xFFFFC000  }
0x7f: {  	_ =	swait.ge [sflag:s22], $0x4000  }
0x80: {  	[sflag:s22] =	ssyncset.done $0x0  }
0x81: {  	[sflag:s22] =	ssyncadd.s32 $0xFFFFC000  }
0x82: {  	_ =	sfence.sel $0x180000  }
0x83: {  	[bflag:$0x0] =	sbarrier.arrive $0xFFFF  }
0x84: {  	p0 =	sne.s32 s1, $0x0;
	_ =	strace $0x90000047  }
0x85: {  	s0 =	sadd.s32 @!p0 $0x100000, s0;
	[bflag:$0x2] =	sbarrier.arrive $0xFFFF  }
0x86: {  	[sflag:s0] =	ssyncadd.tile.s32 @!p0 $0x1;
	_ =	shalt  }
.Lfunc_end2:
_tile_overlayer_lowered:
.L_overlay_start_2:
0x87: {  	(tag) =	ssettag $0x2  }
0x88: {  	s0 =	rddreg [dreg:$0x0];
	s2 =	stileid.u32  }
0x89: {  	s1 =	rddreg [dreg:$0x1];
	p0 =	sne.s32 s2, $0x0  }
0x8a: {  	s3 =	rddreg [dreg:$0x2];
	[bflag:$0x3] =	sbarrier.arrive $0xFFFF;
	s2 =	simm.s32 @!p0 $0x1C09  }
0x8b: {  	[timem:s3], [sflag:s2] =	dma.local @!p0 [hbm:s0], s1  }
0x8c: {  	s0 =	simm.s32 @!p0 $0x9  }
0x8d: {  	_ =	swait.ge @!p0 [sflag:s0], s1  }
0x8e: {  	s1 =	ssub.s32 @!p0 $0x0, s1;
	[sflag:s0] =	ssyncset.done @!p0 $0x0  }
0x8f: {  	[sflag:s0] =	ssyncadd.s32 @!p0 s1  }
0x90: {  	[bflag:$0x3] =	sbarrier.arrive $0xFFFF  }
0x91: {  	_ =	shalt  }

// kernel: kernel.7.cloned.1.call-start
scs
__scs_entry_jumppad:
0x0: {  	(pc) =	sbr.rel $0x88, $3  }
0x1: {  	(tag) =	ssettag $0x0;
	lr =	simm.s32 $0x1  }
0x2: {  	[smem:$0x3F9F] =	sst lr;
	_ =	strace $0xD0000000  }
0x3: {  	_ = 	snop  }
0x4: {  	_ = 	snop  }
0x5: {  	_ = 	snop  }
0x6: {  	_ = 	snop  }
0x7: {  	_ = 	snop  }
__scs_overlays_trampoline_lowered:
0x8: {  	[smem:$0x3FAE] =	sst s0  }
0x9: {  	[smem:$0x3FAF] =	sst s1  }
0xa: {  	[smem:$0x3FB0] =	sst s2  }
0xb: {  	[smem:$0x3FB1] =	sst s3  }
0xc: {  	[smem:$0x3FB2] =	sst s4  }
0xd: {  	[smem:$0x3FB3] =	sst s5  }
0xe: {  	[smem:$0x3FB4] =	sst s6  }
0xf: {  	[smem:$0x3FB5] =	sst s7  }
0x10: {  	[smem:$0x3FB6] =	sst s8  }
0x11: {  	[smem:$0x3FB7] =	sst s9;
	s0 =	simm.s32 @!p0 $0x0  }
0x12: {  	s1 =	sld [smem:$0x3F9D];
	s0 =	simm.s32 @p0 $0x1  }
0x13: {  	[smem:$0x3FB8] =	sst s0;
	s0 =	simm.s32 @!p1 $0x0  }
0x14: {  	s2 =	sld [smem:$0x3F9C];
	s0 =	simm.s32 @p1 $0x1  }
0x15: {  	[smem:$0x3FB9] =	sst s0;
	s0 =	simm.s32 @!p2 $0x0  }
0x16: {  	s3 =	sld [smem:$0x3FDB];
	s0 =	simm.s32 @p2 $0x1  }
0x17: {  	s4 =	simm.s32 $0x1BF5;
	[smem:$0x3FBB] =	sst s0  }
0x18: {  	s0 =	sld [smem:$0x3F9E];
	_ =	swait.ge [sflag:s4], $0x0  }
0x19: {  	s7 =	sld [smem:$0x3F9F]  }
0x1a: {  	s8 =	sadd.s32 $0xFFFFE003, lr  }
0x1b: {  	s9 =	sadd.s32 $0xFFFFFEF7, lr;
	s5 =	simm.s32 $0xFFFFFFFF;
	p2 =	slt.u32 s8, $0xFFFFF086  }
0x1c: {  	p1 =	slt.u32 s9, $0xF7A;
	s5 =	simm.s32 @!p2 $0x0  }
0x1d: {  	s5 =	simm.s32 @p1 $0x1;
	p0 =	seq.s32 s7, s2  }
0x1e: {  	s7 =	smul.u32 @!p0 $0xF7A, s2;
	p2 =	seq.s32 @!p0 s5, $0x0  }
0x1f: {  	s9 =	smul.u32 $0xF7A, s1;
	s8 =	simm.s32 @!p0 $0x1BF5;
	p2 =	por !p2, p0  }
0x20: {  	[sflag:s8] =	ssyncset.s32 @!p0 $0xFFFFF086;
	s6 =	sadd.s32 @!p0 s3, s7;
	s7 =	simm.s32 @!p0 $0x108  }
0x21: {  	s3 =	sadd.s32 s3, s9;
	s6 =	sadd.s32 @!p0 $0x88, s6;
	s7 =	simm.s32 @p2 $0x1082  }
0x22: {  	[simem:s7], [sflag:s8] =	dma.local @!p0 [hbm:s6], $0xF7A  }
0x23: {  	s9 =	sor.u32 $0xD0000000, s2;
	s6 =	simm.s32 $0x108;
	_ =	swait.ge @!p0 [sflag:s8], $0x0  }
0x24: {  	s3 =	sadd.s32 $0x88, s3;
	s6 =	simm.s32 @!p1 $0x1082;
	[sflag:s4] =	ssyncset.s32 $0xFFFFF086  }
0x25: {  	[simem:s6], [sflag:s4] =	dma.local [hbm:s3], $0xF7A  }
0x26: {  	[smem:$0x3F9F] =	sst s1;
	(tag) =	ssettag s2;
	_ =	strace s9  }
0x27: {  	s1 =	sld [smem:$0x3FAF]  }
0x28: {  	s2 =	sld [smem:$0x3FB0]  }
0x29: {  	s4 =	sld [smem:$0x3FB2]  }
0x2a: {  	p0 =	seq.s32 s5, $0x0;
	s5 =	sld [smem:$0x3FB3]  }
0x2b: {  	s6 =	sld [smem:$0x3FB4]  }
0x2c: {  	s7 =	sld [smem:$0x3FB5]  }
0x2d: {  	s3 =	simm.s32 $0x108;
	s8 =	sld [smem:$0x3FB6]  }
0x2e: {  	s3 =	simm.s32 @!p0 $0x1082;
	s9 =	sld [smem:$0x3FB7]  }
0x2f: {  	lr =	sadd.s32 s0, s3;
	s0 =	sld [smem:$0x3FAE]  }
0x30: {  	s3 =	sld [smem:$0x3FB1]  }
0x31: {  	[smem:$0x3FBA] =	sst s10  }
0x32: {  	s10 =	sld [smem:$0x3FB8];
	_ =	sdelay $0x3  }
0x33: {  	p0 =	seq.s32 s10, $0x1;
	s10 =	sld [smem:$0x3FBA];
	_ =	sdelay $0x3  }
0x34: {  	[smem:$0x3FBA] =	sst s10  }
0x35: {  	s10 =	sld [smem:$0x3FB9];
	_ =	sdelay $0x3  }
0x36: {  	p1 =	seq.s32 s10, $0x1;
	s10 =	sld [smem:$0x3FBA];
	_ =	sdelay $0x3  }
0x37: {  	[smem:$0x3FBA] =	sst s10  }
0x38: {  	s10 =	sld [smem:$0x3FBB]  }
0x39: {  	_ = 	snop;
	(pc) =	sbr.ind lr, $3  }
0x3a: {  	_ = 	snop  }
0x3b: {  	_ = 	snop  }
0x3c: {  	p2 =	seq.s32 s10, $0x1;
	s10 =	sld [smem:$0x3FBA]  }
0x3d: {  	_ =	shalt  }
0x3e: {  	_ =	shalt  }
0x3f: {  	_ =	shalt  }
0x40: {  	_ =	shalt  }
0x41: {  	_ =	shalt  }
0x42: {  	_ =	shalt  }
0x43: {  	_ =	shalt  }
0x44: {  	_ =	shalt  }
0x45: {  	_ =	shalt  }
0x46: {  	_ =	shalt  }
0x47: {  	_ =	shalt  }
0x48: {  	_ =	shalt  }
0x49: {  	_ =	shalt  }
0x4a: {  	_ =	shalt  }
0x4b: {  	_ =	shalt  }
0x4c: {  	_ =	shalt  }
0x4d: {  	_ =	shalt  }
0x4e: {  	_ =	shalt  }
0x4f: {  	_ =	shalt  }
0x50: {  	_ =	shalt  }
0x51: {  	_ =	shalt  }
0x52: {  	_ =	shalt  }
0x53: {  	_ =	shalt  }
0x54: {  	_ =	shalt  }
0x55: {  	_ =	shalt  }
0x56: {  	_ =	shalt  }
0x57: {  	_ =	shalt  }
0x58: {  	_ =	shalt  }
0x59: {  	_ =	shalt  }
0x5a: {  	_ =	shalt  }
0x5b: {  	_ =	shalt  }
0x5c: {  	_ =	shalt  }
0x5d: {  	_ =	shalt  }
0x5e: {  	_ =	shalt  }
0x5f: {  	_ =	shalt  }
0x60: {  	_ =	shalt  }
0x61: {  	_ =	shalt  }
0x62: {  	_ =	shalt  }
0x63: {  	_ =	shalt  }
0x64: {  	_ =	shalt  }
0x65: {  	_ =	shalt  }
0x66: {  	_ =	shalt  }
0x67: {  	_ =	shalt  }
0x68: {  	_ =	shalt  }
0x69: {  	_ =	shalt  }
0x6a: {  	_ =	shalt  }
0x6b: {  	_ =	shalt  }
0x6c: {  	_ =	shalt  }
0x6d: {  	_ =	shalt  }
0x6e: {  	_ =	shalt  }
0x6f: {  	_ =	shalt  }
0x70: {  	_ =	shalt  }
0x71: {  	_ =	shalt  }
0x72: {  	_ =	shalt  }
0x73: {  	_ =	shalt  }
0x74: {  	_ =	shalt  }
0x75: {  	_ =	shalt  }
0x76: {  	_ =	shalt  }
0x77: {  	_ =	shalt  }
0x78: {  	_ =	shalt  }
0x79: {  	_ =	shalt  }
0x7a: {  	_ =	shalt  }
0x7b: {  	_ =	shalt  }
0x7c: {  	_ =	shalt  }
0x7d: {  	_ =	shalt  }
0x7e: {  	_ =	shalt  }
0x7f: {  	_ =	shalt  }
0x80: {  	_ =	shalt  }
0x81: {  	_ =	shalt  }
0x82: {  	_ =	shalt  }
0x83: {  	_ =	shalt  }
0x84: {  	_ =	shalt  }
0x85: {  	_ =	shalt  }
0x86: {  	_ =	shalt  }
0x87: {  	_ =	shalt  }
.Lfunc_end0:
.L_simem_size_0:
called_computation.1_lowered:
.L_overlay_start_0:
0x88: {  	s2 =	sld [smem:$0x3FD9]  }
0x89: {  	s3 =	sld [smem:$0x3FFE];
	_ =	sdelay $0x1  }
0x8a: {  	s1 =	srdreg.scid  }
0x8b: {  	s0 =	sand.u32 $0x1, s1  }
0x8c: {  	s17 =	sshll.u32 s0, $0xA;
	s2 =	sadd.s32 s3, s2  }
0x8d: {  	s2 =	sadd.s32 s2, s17  }
0x8e: {  	[smem:$0x3FC6] =	sst s2  }
0x8f: {  	_ = 	snop  }
0x90: {  	(tm) =	ssettm $0x1  }
0x91: {  	s18 =	sld [smem:$0x3FFB];
	_ =	sdelay $0x3  }
0x92: {  	_ =	strace s18  }
0x93: {  	s2 =	sld [smem:$0x3FFC];
	_ =	sdelay $0x3  }
0x94: {  	_ =	strace s2  }
0x95: {  	s2 =	sld [smem:$0x3FFD];
	_ =	sdelay $0x3  }
0x96: {  	_ =	strace s2  }
0x97: {  	_ =	strace $0x8FFFFFFF  }
0x98: {  	s19 =	sld [smem:$0x3FDB];
	_ =	sdelay $0x1  }
0x99: {  	s20 =	simm.s32 $_scs_section_size  }
0x9a: {  	s4 =	simm.s32 $_size__tile_overlayer_lowered;
	s5 =	simm.s32 $_tile_overlayer_lowered  }
0x9b: {  	s6 =	simm.s32 $0x1BFF;
	s21 =	sshll.u32 s5, $0x1;
	s3 =	sadd.s32 s20, s19  }
0x9c: {  	s22 =	simm.s32 $0x0;
	s4 =	sshll.u32 s4, $0x1;
	s5 =	sadd.s32 s21, s3  }
0x9d: {  	[timem:s22], [sflag:s6] =	dma.local [hbm:s5], s4  }
0x9e: {  	_ =	swait.ge [sflag:s6], s4  }
0x9f: {  	s4 =	ssub.s32 $0x0, s4;
	[sflag:s6] =	ssyncset.done $0x0  }
0xa0: {  	[sflag:s6] =	ssyncadd.s32 s4;
	_ =	sdelay $0x1  }
0xa1: {  	s23 =	simm.s32 $0x1B8B  }
0xa2: {  	_ =	swait.ge [sflag:s23], $0x1  }
0xa3: {  	[sflag:s23] =	ssyncset.done $0x0  }
0xa4: {  	[sflag:s23] =	ssyncadd.s32 $0xFFFFFFFF  }
0xa5: {  	s4 =	sld [smem:$0x0]  }
0xa6: {  	s5 =	sand.u32 $0xFFFFFFFE, s1  }
0xa7: {  	p0 =	sne.s32 s1, s5  }
0xa8: {  	s5 =	sshll.u32 @p0 s5, $0xE  }
0xa9: {  	s5 =	sadd.s32 @p0 $0x11B8D, s5;
	s6 =	sshll.u32 @p0 s4, $0x11  }
0xaa: {  	s5 =	sor.u32 @p0 s6, s5  }
0xab: {  	[sflag:s5] =	ssyncadd.remote.s32 @p0 $0x1;
	_ =	sdelay $0x1  }
0xac: {  	s5 =	simm.s32 @p0 $0x1B8D  }
0xad: {  	_ =	swait.eq @p0 [sflag:s5], $0x1  }
0xae: {  	[sflag:s5] =	ssyncadd.s32 @p0 $0xFFFFFFFF  }
0xaf: {  	s6 =	sshll.u32 @!p0 s1, $0xE  }
0xb0: {  	s6 =	sor.u32 @!p0 $0x4000, s6;
	s5 =	simm.s32 @!p0 $0x1B8D  }
0xb1: {  	s4 =	sshll.u32 @!p0 s4, $0x11;
	s6 =	sadd.s32 @!p0 $0x11B8D, s6;
	_ =	swait.eq @!p0 [sflag:s5], $0x1  }
0xb2: {  	s4 =	sor.u32 @!p0 s4, s6;
	[sflag:s5] =	ssyncadd.s32 @!p0 $0xFFFFFFFF  }
0xb3: {  	s25 =	simm.s32 $0x1B8E;
	s24 =	sld [smem:$0x3FFE];
	[sflag:s4] =	ssyncadd.remote.s32 @!p0 $0x1  }
0xb4: {  	s26 =	simm.s32 $execute0_lowered;
	[smem:$0x3FD2] =	sst s25  }
0xb5: {  	s5 =	sshll.u32 s26, $0x1;
	_ =	strace $0x80000049;
	[dreg:$0x1] =	wrdreg $0xFFFFFFFF  }
0xb6: {  	s28 =	simm.s32 $_size_execute0_lowered;
	s3 =	sadd.s32 s3, s5;
	[dreg:$0x0] =	wrdreg $0x0  }
0xb7: {  	s5 =	sshll.u32 s28, $0x1;
	[dreg:$0x2] =	wrdreg s3  }
0xb8: {  	[dreg:$0x3] =	wrdreg s5  }
0xb9: {  	[dreg:$0x4] =	wrdreg $0xC0  }
0xba: {  	_ =	task [dreg:s22], $0x5FFFF  }
0xbb: {  	[dreg:$0x1] =	wrdreg $0xFFFFFFFF  }
0xbc: {  	[dreg:$0x0] =	wrdreg $0x60  }
0xbd: {  	[dreg:$0x2] =	wrdreg s24  }
0xbe: {  	[dreg:$0x3] =	wrdreg $0xA  }
0xbf: {  	_ =	task.clear_ibuf [dreg:s22], $0x4FFFF;
	_ =	strace $0x90000049  }
0xc0: {  	s29 =	simm.s32 $0xA;
	_ =	strace $0x8000004B  }
0xc1: {  	_ =	swait.ge [sflag:s29], $0x1  }
0xc2: {  	[sflag:s29] =	ssyncadd.s32 $0xFFFFFFFF  }
0xc3: {  	_ =	strace $0x9000004B  }
0xc4: {  	_ =	sfence  }
0xc5: {  	s30 =	sld [smem:$0x0];
	_ =	sdelay $0x2  }
0xc6: {  	s31 =	sshll.u32 s1, $0xD;
	s1 =	sshrl.u32 s1, $0x2  }
0xc7: {  	s4 =	sand.u32 $0x4000, s31;
	s1 =	sadd.s32 s1, s30  }
0xc8: {  	s0 =	sor.u32 s4, s0;
	s1 =	sshll.u32 s1, $0x11  }
0xc9: {  	s0 =	sor.u32 s1, s0  }
0xca: {  	s0 =	sadd.s32 $0x8F2B, s0  }
0xcb: {  	[sflag:s0] =	ssyncadd.remote.s32 $0x1  }
0xcc: {  	_ =	sfence.sel $0xFFFF  }
0xcd: {  	[dreg:$0x0] =	wrdreg $0xFFFFFFFF;
	(pc) =	sbr.abs _section_cstart, $3  }
0xce: {  	[dreg:$0x1] =	wrdreg $0xFFFFFFFF  }
0xcf: {  	_ =	task.clear_ibuf [dreg:s22], $0x2FFFF;
	_ =	strace $0x9FFFFFFF  }
0xd0: {  	(tm) =	ssettm $0x7FFFFFFF  }
0xd1: {  	_ =	shalt  }
tec
execute0_lowered:
.L_overlay_start_1:
0x0: {  	(tag) =	ssettag $0x1  }
0x1: {  	s3 =	rddreg [dreg:$0x0]  }
0x2: {  	s0 =	rddreg [dreg:$0x1];
	s2 =	simm.s32 $0x0  }
0x3: {  	s1 =	stileid.u32;
	s4 =	srdreg.scid;
	s14 =	simm.s32 $0xC000  }
0x4: {  	s15 =	simm.s32 $0x1;
	s16 =	simm.s32 $0x2;
	s17 =	simm.s32 $0x3  }
0x5: {  	s18 =	simm.s32 $0x4;
	s19 =	simm.s32 $0x5;
	s20 =	simm.s32 $0x6  }
0x6: {  	s21 =	simm.s32 $0x7;
	s22 =	simm.s32 $0x8;
	s23 =	simm.s32 $0x0  }
0x7: {  	[smem:$0x7FF] =	sst s2;
	s5 =	sshll.u32 s1, $0x14;
	s6 =	sand.u32 $0x1, s1  }
0x8: {  	s4 =	sand.u32 $0x1, s4;
	s11 =	sadd.s32 $0x400800, s3;
	s10 =	sadd.s32 $0x800800, s3  }
0x9: {  	s5 =	sand.u32 $0xE00000, s5;
	s6 =	sshll.u32 s6, $0x14;
	s7 =	ssub.s32 $0x2, s4  }
0xa: {  	s4 =	sshll.u32 s4, $0x13;
	s5 =	sor.u32 s6, s5;
	s26 =	sshrl.u32 s7, $0x1  }
0xb: {  	_ =	strace $0x8000004A;
	s9 =	sor.u32 s4, s5;
	s28 =	ssub.s32 s7, s26  }
0xc: {  	s4 =	sor.u32 $0x8000, s9;
	s3 =	smax.u32 s28, $0x1;
	s30 =	sor.u32 $0x4000, s9  }
0xd: {  	s8 =	sor.u32 $0xC000, s9;
	s13 =	sshrl.u32 s9, $0x3;
	s29 =	sshrl.u32 s4, $0x3  }
0xe: {  	s31 =	sshrl.u32 s30, $0x3;
	s12 =	sshrl.u32 s8, $0x3;
	s4 =	sadd.s32 s29, s10  }
0xf: {  	s5 =	sadd.s32 s29, s11;
	s6 =	sadd.s32 s31, s10;
	s7 =	sadd.s32 s31, s11  }
0x10: {  	s8 =	sadd.s32 s12, s10;
	s9 =	sadd.s32 s12, s11;
	s10 =	sadd.s32 s13, s10  }
0x11: {  	s11 =	sadd.s32 s13, s11;
	s12 =	simm.s32 $0x4000;
	s13 =	simm.s32 $0x8000  }
.LBB2_1:
0x12: {  	p0 =	por $0x1, $0x1  }
0x13: {  	s24 =	simm.s32 @!p0 $0x5  }
0x14: {  	_ =	swait.ge @!p0 [sflag:s24], $0x4000  }
0x15: {  	[sflag:s24] =	ssyncset.done @!p0 $0x0  }
0x16: {  	s29 =	sadd.s32 $0x0, s11;
	s25 =	simm.s32 @!p0 $0x6;
	[sflag:s24] =	ssyncadd.s32 @!p0 $0xFFFFC000  }
0x17: {  	[tilespmem:s2], [sflag:$0x1] =	stream.linear.gather [hbm4b:s29+s2], $0x4000, $0x38;
	[tilespmem:$0x10000] =	vst v63  }
0x18: {  	_ =	swait.ge @!p0 [sflag:s25], $0x4000  }
0x19: {  	[sflag:s25] =	ssyncset.done @!p0 $0x0  }
0x1a: {  	s30 =	sadd.s32 $0x0, s7;
	[sflag:s25] =	ssyncadd.s32 @!p0 $0xFFFFC000;
	s25 =	simm.s32 @!p0 $0x7  }
0x1b: {  	[tilespmem:s12], [sflag:$0x2] =	stream.linear.gather [hbm4b:s30+s2], $0x4000, $0x38;
	[tilespmem:$0x10000] =	vst v63  }
0x1c: {  	_ =	swait.ge @!p0 [sflag:s25], $0x4000  }
0x1d: {  	[sflag:s25] =	ssyncset.done @!p0 $0x0  }
0x1e: {  	s31 =	sadd.s32 $0x0, s5;
	[sflag:s25] =	ssyncadd.s32 @!p0 $0xFFFFC000;
	s25 =	simm.s32 @!p0 $0x8  }
0x1f: {  	[tilespmem:s13], [sflag:$0x3] =	stream.linear.gather [hbm4b:s31+s2], $0x4000, $0x38;
	[tilespmem:$0x10000] =	vst v63  }
0x20: {  	_ =	swait.ge @!p0 [sflag:s25], $0x4000  }
0x21: {  	[sflag:s25] =	ssyncset.done @!p0 $0x0  }
0x22: {  	s26 =	sadd.s32 $0x0, s9;
	[sflag:s25] =	ssyncadd.s32 @!p0 $0xFFFFC000  }
0x23: {  	[tilespmem:s14], [sflag:$0x4] =	stream.linear.gather [hbm4b:s26+s2], $0x4000, $0x38;
	[tilespmem:$0x10000] =	vst v63  }
0x24: {  	_ =	swait.ge [sflag:s15], $0x4000  }
0x25: {  	[sflag:s15] =	ssyncset.done $0x0  }
0x26: {  	s29 =	sadd.s32 $0x0, s10;
	[sflag:s15] =	ssyncadd.s32 $0xFFFFC000  }
0x27: {  	[hbm4b:s29+s2] =	stream.linear.scatter [tilespmem:s2], [sflag:$0x5], $0x4000, $0x38;
	[tilespmem:$0x10000] =	vst v63  }
0x28: {  	_ =	swait.ge [sflag:s16], $0x4000  }
0x29: {  	[sflag:s16] =	ssyncset.done $0x0  }
0x2a: {  	s30 =	sadd.s32 $0x0, s6;
	[sflag:s16] =	ssyncadd.s32 $0xFFFFC000  }
0x2b: {  	[hbm4b:s30+s2] =	stream.linear.scatter [tilespmem:s12], [sflag:$0x6], $0x4000, $0x38;
	[tilespmem:$0x10000] =	vst v63  }
0x2c: {  	_ =	swait.ge [sflag:s17], $0x4000  }
0x2d: {  	[sflag:s17] =	ssyncset.done $0x0  }
0x2e: {  	s31 =	sadd.s32 $0x0, s4;
	[sflag:s17] =	ssyncadd.s32 $0xFFFFC000  }
0x2f: {  	[hbm4b:s31+s2] =	stream.linear.scatter [tilespmem:s13], [sflag:$0x7], $0x4000, $0x38;
	[tilespmem:$0x10000] =	vst v63  }
0x30: {  	s28 =	sadd.s32 $0x0, s8;
	s24 =	simm.s32 $0x2000;
	_ =	swait.ge [sflag:s18], $0x4000  }
0x31: {  	s25 =	simm.s32 $0x4000;
	p0 =	por $0x0, $0x0;
	[sflag:s18] =	ssyncset.done $0x0  }
.LBB2_2:
0x32: {  	s29 =	simm.s32 @!p0 $0x5;
	[sflag:s18] =	ssyncadd.s32 $0xFFFFC000  }
0x33: {  	s26 =	smov.u32 s24;
	s24 =	smov.u32 s25;
	s25 =	sadd.s32 $0x2000, s25  }
0x34: {  	[hbm4b:s28+s2] =	stream.linear.scatter [tilespmem:s14], [sflag:$0x8], $0x4000, $0x38;
	[tilespmem:$0x10000] =	vst v63  }
0x35: {  	p1 =	sne.s32 s25, $0x10000;
	_ =	swait.ge @!p0 [sflag:s29], $0x4000  }
0x36: {  	[sflag:s29] =	ssyncset.done @!p0 $0x0  }
0x37: {  	s28 =	sadd.s32 s26, s11;
	[sflag:s29] =	ssyncadd.s32 @!p0 $0xFFFFC000;
	s29 =	simm.s32 @!p0 $0x6  }
0x38: {  	[tilespmem:s2], [sflag:$0x1] =	stream.linear.gather [hbm4b:s28+s2], $0x4000, $0x38;
	[tilespmem:$0x10000] =	vst v63  }
0x39: {  	_ =	swait.ge @!p0 [sflag:s29], $0x4000  }
0x3a: {  	[sflag:s29] =	ssyncset.done @!p0 $0x0  }
0x3b: {  	s28 =	sadd.s32 s26, s7;
	[sflag:s29] =	ssyncadd.s32 @!p0 $0xFFFFC000;
	s29 =	simm.s32 @!p0 $0x7  }
0x3c: {  	[tilespmem:s12], [sflag:$0x2] =	stream.linear.gather [hbm4b:s28+s2], $0x4000, $0x38;
	[tilespmem:$0x10000] =	vst v63  }
0x3d: {  	_ =	swait.ge @!p0 [sflag:s29], $0x4000  }
0x3e: {  	[sflag:s29] =	ssyncset.done @!p0 $0x0  }
0x3f: {  	s28 =	sadd.s32 s26, s5;
	[sflag:s29] =	ssyncadd.s32 @!p0 $0xFFFFC000;
	s29 =	simm.s32 @!p0 $0x8  }
0x40: {  	[tilespmem:s13], [sflag:$0x3] =	stream.linear.gather [hbm4b:s28+s2], $0x4000, $0x38;
	[tilespmem:$0x10000] =	vst v63  }
0x41: {  	_ =	swait.ge @!p0 [sflag:s29], $0x4000  }
0x42: {  	[sflag:s29] =	ssyncset.done @!p0 $0x0  }
0x43: {  	s28 =	sadd.s32 s26, s9;
	[sflag:s29] =	ssyncadd.s32 @!p0 $0xFFFFC000  }
0x44: {  	[tilespmem:s14], [sflag:$0x4] =	stream.linear.gather [hbm4b:s28+s2], $0x4000, $0x38;
	[tilespmem:$0x10000] =	vst v63  }
0x45: {  	_ =	swait.ge [sflag:s15], $0x4000  }
0x46: {  	[sflag:s15] =	ssyncset.done $0x0  }
0x47: {  	s28 =	sadd.s32 s26, s10;
	[sflag:s15] =	ssyncadd.s32 $0xFFFFC000  }
0x48: {  	[hbm4b:s28+s2] =	stream.linear.scatter [tilespmem:s2], [sflag:$0x5], $0x4000, $0x38;
	[tilespmem:$0x10000] =	vst v63  }
0x49: {  	_ =	swait.ge [sflag:s16], $0x4000  }
0x4a: {  	[sflag:s16] =	ssyncset.done $0x0  }
0x4b: {  	s28 =	sadd.s32 s26, s6;
	[sflag:s16] =	ssyncadd.s32 $0xFFFFC000  }
0x4c: {  	[hbm4b:s28+s2] =	stream.linear.scatter [tilespmem:s12], [sflag:$0x6], $0x4000, $0x38;
	[tilespmem:$0x10000] =	vst v63  }
0x4d: {  	_ =	swait.ge [sflag:s17], $0x4000  }
.Ltmp0:
0x4e: {  	[sflag:s17] =	ssyncset.done $0x0;
	(pc) =	sbr.rel @p1 .LBB2_2-.Ltmp0, $4  }
0x4f: {  	s28 =	sadd.s32 s26, s4;
	[sflag:s17] =	ssyncadd.s32 $0xFFFFC000  }
0x50: {  	[hbm4b:s28+s2] =	stream.linear.scatter [tilespmem:s13], [sflag:$0x7], $0x4000, $0x38;
	[tilespmem:$0x10000] =	vst v63  }
0x51: {  	_ =	swait.ge [sflag:s18], $0x4000  }
0x52: {  	p0 =	seq.s32 s24, $0x0;
	s28 =	sadd.s32 s26, s8;
	[sflag:s18] =	ssyncset.done $0x0  }
0x53: {  	s25 =	simm.s32 @!p0 $0x5;
	[sflag:s18] =	ssyncadd.s32 $0xFFFFC000  }
0x54: {  	[hbm4b:s28+s2] =	stream.linear.scatter [tilespmem:s14], [sflag:$0x8], $0x4000, $0x38;
	[tilespmem:$0x10000] =	vst v63  }
0x55: {  	_ =	swait.ge @!p0 [sflag:s25], $0x4000  }
0x56: {  	[sflag:s25] =	ssyncset.done @!p0 $0x0  }
0x57: {  	s29 =	sadd.s32 s24, s11;
	s26 =	simm.s32 @!p0 $0x6;
	[sflag:s25] =	ssyncadd.s32 @!p0 $0xFFFFC000  }
0x58: {  	[tilespmem:s2], [sflag:$0x1] =	stream.linear.gather [hbm4b:s29+s2], $0x4000, $0x38;
	[tilespmem:$0x10000] =	vst v63  }
0x59: {  	_ =	swait.ge @!p0 [sflag:s26], $0x4000  }
0x5a: {  	[sflag:s26] =	ssyncset.done @!p0 $0x0  }
0x5b: {  	s30 =	sadd.s32 s24, s7;
	[sflag:s26] =	ssyncadd.s32 @!p0 $0xFFFFC000;
	s26 =	simm.s32 @!p0 $0x7  }
0x5c: {  	[tilespmem:s12], [sflag:$0x2] =	stream.linear.gather [hbm4b:s30+s2], $0x4000, $0x38;
	[tilespmem:$0x10000] =	vst v63  }
0x5d: {  	_ =	swait.ge @!p0 [sflag:s26], $0x4000  }
0x5e: {  	[sflag:s26] =	ssyncset.done @!p0 $0x0  }
0x5f: {  	s31 =	sadd.s32 s24, s5;
	[sflag:s26] =	ssyncadd.s32 @!p0 $0xFFFFC000;
	s26 =	simm.s32 @!p0 $0x8  }
0x60: {  	[tilespmem:s13], [sflag:$0x3] =	stream.linear.gather [hbm4b:s31+s2], $0x4000, $0x38;
	[tilespmem:$0x10000] =	vst v63  }
0x61: {  	_ =	swait.ge @!p0 [sflag:s26], $0x4000  }
0x62: {  	[sflag:s26] =	ssyncset.done @!p0 $0x0  }
0x63: {  	[sflag:s26] =	ssyncadd.s32 @!p0 $0xFFFFC000;
	s26 =	sadd.s32 s24, s9  }
0x64: {  	[tilespmem:s14], [sflag:$0x4] =	stream.linear.gather [hbm4b:s26+s2], $0x4000, $0x38;
	[tilespmem:$0x10000] =	vst v63  }
0x65: {  	_ =	swait.ge [sflag:s15], $0x4000  }
0x66: {  	[sflag:s15] =	ssyncset.done $0x0  }
0x67: {  	s28 =	sadd.s32 s24, s10;
	[sflag:s15] =	ssyncadd.s32 $0xFFFFC000  }
0x68: {  	[hbm4b:s28+s2] =	stream.linear.scatter [tilespmem:s2], [sflag:$0x5], $0x4000, $0x38;
	[tilespmem:$0x10000] =	vst v63  }
0x69: {  	_ =	swait.ge [sflag:s16], $0x4000  }
0x6a: {  	[sflag:s16] =	ssyncset.done $0x0  }
0x6b: {  	s29 =	sadd.s32 s24, s6;
	[sflag:s16] =	ssyncadd.s32 $0xFFFFC000  }
0x6c: {  	[hbm4b:s29+s2] =	stream.linear.scatter [tilespmem:s12], [sflag:$0x6], $0x4000, $0x38;
	[tilespmem:$0x10000] =	vst v63  }
0x6d: {  	_ =	swait.ge [sflag:s17], $0x4000  }
0x6e: {  	[sflag:s17] =	ssyncset.done $0x0  }
0x6f: {  	s30 =	sadd.s32 s24, s4;
	[sflag:s17] =	ssyncadd.s32 $0xFFFFC000  }
0x70: {  	[hbm4b:s30+s2] =	stream.linear.scatter [tilespmem:s13], [sflag:$0x7], $0x4000, $0x38;
	[tilespmem:$0x10000] =	vst v63  }
0x71: {  	_ =	swait.ge [sflag:s18], $0x4000  }
0x72: {  	[sflag:s18] =	ssyncset.done $0x0  }
0x73: {  	s31 =	sadd.s32 s24, s8;
	[sflag:s18] =	ssyncadd.s32 $0xFFFFC000  }
0x74: {  	[hbm4b:s31+s2] =	stream.linear.scatter [tilespmem:s14], [sflag:$0x8], $0x4000, $0x38;
	[tilespmem:$0x10000] =	vst v63  }
0x75: {  	_ =	swait.ge [sflag:s19], $0x4000  }
0x76: {  	[sflag:s19] =	ssyncset.done $0x0  }
0x77: {  	[sflag:s19] =	ssyncadd.s32 $0xFFFFC000  }
0x78: {  	_ =	swait.ge [sflag:s20], $0x4000  }
0x79: {  	[sflag:s20] =	ssyncset.done $0x0  }
0x7a: {  	s23 =	sadd.s32 $0x1, s23;
	[sflag:s20] =	ssyncadd.s32 $0xFFFFC000  }
0x7b: {  	p0 =	sne.s32 s23, s3;
	_ =	swait.ge [sflag:s21], $0x4000  }
.Ltmp1:
0x7c: {  	[sflag:s21] =	ssyncset.done $0x0;
	(pc) =	sbr.rel @p0 .LBB2_1-.Ltmp1, $4  }
0x7d: {  	[sflag:s21] =	ssyncadd.s32 $0xFFFFC000  }
0x7e: {  	_ =	swait.ge [sflag:s22], $0x4000  }
0x7f: {  	[sflag:s22] =	ssyncset.done $0x0  }
0x80: {  	[sflag:s22] =	ssyncadd.s32 $0xFFFFC000  }
0x81: {  	_ =	sfence.sel $0x180000  }
0x82: {  	[bflag:$0x0] =	sbarrier.arrive $0xFFFF  }
0x83: {  	p0 =	sne.s32 s1, $0x0;
	_ =	strace $0x9000004A  }
0x84: {  	s0 =	sadd.s32 @!p0 $0x100000, s0;
	[bflag:$0x2] =	sbarrier.arrive $0xFFFF  }
0x85: {  	[sflag:s0] =	ssyncadd.tile.s32 @!p0 $0x1;
	_ =	shalt  }
.Lfunc_end2:
_tile_overlayer_lowered:
.L_overlay_start_2:
0x86: {  	(tag) =	ssettag $0x2  }
0x87: {  	s0 =	rddreg [dreg:$0x0];
	s2 =	stileid.u32  }
0x88: {  	s1 =	rddreg [dreg:$0x1];
	p0 =	sne.s32 s2, $0x0  }
0x89: {  	s3 =	rddreg [dreg:$0x2];
	[bflag:$0x3] =	sbarrier.arrive $0xFFFF;
	s2 =	simm.s32 @!p0 $0x1C09  }
0x8a: {  	[timem:s3], [sflag:s2] =	dma.local @!p0 [hbm:s0], s1  }
0x8b: {  	s0 =	simm.s32 @!p0 $0x9  }
0x8c: {  	_ =	swait.ge @!p0 [sflag:s0], s1  }
0x8d: {  	s1 =	ssub.s32 @!p0 $0x0, s1;
	[sflag:s0] =	ssyncset.done @!p0 $0x0  }
0x8e: {  	[sflag:s0] =	ssyncadd.s32 @!p0 s1  }
0x8f: {  	[bflag:$0x3] =	sbarrier.arrive $0xFFFF  }
0x90: {  	_ =	shalt  }

</sc_bundles>
